<compile_context>
chip_gen: v7x
topology: tpu7x:2x2x1
jax: 0.10.2.dev20260603
libtpu: 0.0.44.dev20260713+nightly
codegen_flags: <defaults>
</compile_context>

<pallas_src>
import functools

import jax
import jax.numpy as jnp
from jax import lax
from jax.experimental import pallas as pl
from jax.experimental.pallas import tpu as pltpu
from jax.experimental.pallas import tpu_sc as plsc

DEPTH = 1000
BATCH = 16384

_info = plsc.get_sparse_core_info()
_NC, _NS, _L = _info.num_cores, _info.num_subcores, _info.num_lanes
_NW = _NC * _NS
_COLS_PER_W = BATCH // _NW
_CHUNK_COLS = 128
_N_CHUNKS = _COLS_PER_W // _CHUNK_COLS
_GROUPS = _CHUNK_COLS // _L
_PIECE_ROWS = 200
_N_PIECES = DEPTH // _PIECE_ROWS
_N_BUF = 2
_N_TASKS = _N_CHUNKS * _N_PIECES


@functools.partial(
    pl.kernel,
    out_type=jax.ShapeDtypeStruct((DEPTH, BATCH), jnp.float32),
    mesh=plsc.VectorSubcoreMesh(core_axis_name="c", subcore_axis_name="s"),
    compiler_params=pltpu.CompilerParams(
        needs_layout_passes=False, use_tc_tiling_on_sc=True),
    scratch_types=[
        pltpu.VMEM((_COLS_PER_W,), jnp.int32),
        pltpu.VMEM((_PIECE_ROWS, _CHUNK_COLS), jnp.float32),
        pltpu.VMEM((_PIECE_ROWS, _CHUNK_COLS), jnp.float32),
        pltpu.SemaphoreType.DMA,
        pltpu.SemaphoreType.DMA,
    ],
)
def _sc_onehot_t(idx_hbm, out_hbm, idx_v, buf0, buf1, sem0, sem1):
    wid = lax.axis_index("s") * _NC + lax.axis_index("c")
    col0 = wid * _COLS_PER_W

    bufs = (buf0, buf1)
    sems = (sem0, sem1)

    idx_cp = pltpu.make_async_copy(
        idx_hbm.at[pl.ds(col0, _COLS_PER_W)], idx_v, sem0)
    idx_cp.start()

    zero16 = jnp.zeros((_L,), jnp.float32)
    one16 = jnp.full((_L,), 1.0, jnp.float32)
    lanes = lax.iota(jnp.int32, _L)

    def zfill(buf):
        def zbody(r4, carry):
            for dr in range(4):
                for k in range(_GROUPS):
                    buf[r4 * 4 + dr, pl.ds(k * _L, _L)] = zero16
            return carry
        lax.fori_loop(0, _PIECE_ROWS // 4, zbody, 0)

    def piece(task):
        c = task // _N_PIECES
        row0 = pl.multiple_of((task % _N_PIECES) * _PIECE_ROWS, 8)
        return c, row0

    def scatter_piece(buf, task, val16):
        c, row0 = piece(task)
        for g in range(_GROUPS):
            idxv = idx_v[pl.ds(c * _CHUNK_COLS + g * _L, _L)]
            colv = g * _L + lanes
            m = jnp.logical_and(idxv >= row0, idxv < row0 + _PIECE_ROWS)
            plsc.store_scatter(buf, [idxv - row0, colv], val16, mask=m)

    def dma(b, task):
        c, row0 = piece(task)
        cbase = pl.multiple_of(col0 + c * _CHUNK_COLS, _CHUNK_COLS)
        return pltpu.make_async_copy(
            bufs[b],
            out_hbm.at[pl.ds(row0, _PIECE_ROWS), pl.ds(cbase, _CHUNK_COLS)],
            sems[b])

    zfill(buf0)
    idx_cp.wait()
    scatter_piece(buf0, 0, one16)
    dma(0, 0).start()
    zfill(buf1)
    scatter_piece(buf1, 1, one16)
    dma(1, 1).start()

    def lbody(t, carry):
        for j in range(_N_BUF):
            task = _N_BUF * t + j
            dma(j, task - _N_BUF).wait()
            scatter_piece(bufs[j], task - _N_BUF, zero16)
            scatter_piece(bufs[j], task, one16)
            dma(j, task).start()
        return carry

    lax.fori_loop(1, _N_TASKS // _N_BUF, lbody, 0)

    dma(0, _N_TASKS - 2).wait()
    dma(1, _N_TASKS - 1).wait()


@jax.jit
def kernel(X_in, ones):
    del ones
    return _sc_onehot_t(X_in.astype(jnp.int32)).T

# --- scband reference (transcript-rebuilt; emitter-appended) ---
"""Pipeline reference for scband-one-hot-67207648247896 (READ-ONLY COPY).

The authoritative reference and input builder live on the scoring server;
editing this copy changes nothing except your own understanding.
"""

import jax, jax.numpy as jnp
import numpy as np

DEPTH = 1000
BATCH = 16384

def setup_inputs(seed: int = 0) -> dict:
    key = jax.random.key(seed)
    k1, = jax.random.split(key, 1)
    X_in = jax.random.randint(k1, (BATCH,), 0, DEPTH, dtype=jnp.int64 if jax.config.jax_enable_x64 else jnp.int32).astype(jnp.int32)
    ones = jnp.eye(DEPTH, dtype=jnp.float32)
    return {"X_in": X_in, "ones": ones}

def reference(X_in, ones):
    # torch: self.ones.index_select(0, X_in.long())
    idx = X_in.astype(jnp.int32)
    return jnp.take(ones, idx, axis=0)

if __name__ == "__main__":
    import jax
    _d = setup_inputs()
    print(jax.jit(kernel)(*tuple(_d.values())))

</pallas_src>

<mosaic_0001>
#map = affine_map<(d0, d1) -> (0)>
#map1 = affine_map<(d0, d1) -> (0, 0)>
module attributes {stable_mosaic.version = 14 : i64} {
  func.func @_sc_onehot_t(%arg0: i32, %arg1: i32, %arg2: memref<16384xi32, #tpu.memory_space<hbm>>, %arg3: memref<1000x16384xf32, #tpu.memory_space<hbm>>, %arg4: memref<512xi32, #tpu.memory_space<vmem>>, %arg5: memref<200x128xf32, #tpu.memory_space<vmem>>, %arg6: memref<200x128xf32, #tpu.memory_space<vmem>>, %arg7: memref<!tpu.dma_semaphore, #tpu.memory_space<semaphore_mem>>, %arg8: memref<!tpu.dma_semaphore, #tpu.memory_space<semaphore_mem>>) attributes {dimension_semantics = [#tpu.dimension_semantics<core_parallel>, #tpu.dimension_semantics<subcore_parallel>], iteration_bounds = array<i64: 2, 16>, scalar_prefetch = 0 : i64, scratch_operands = 5 : i64, tpu.core_type = #tpu.core_type<sc_vector_subcore>, window_params = [{transform_indices = #map}, {transform_indices = #map1}]} {
    %mul3A = arith.constant 2 : i32
    %mul3A_0 = arith.muli %arg1, %mul3A : i32
    %add3A = arith.addi %mul3A_0, %arg0 : i32
    %mul3A_1 = arith.constant 512 : i32
    %mul3A_2 = arith.muli %add3A, %mul3A_1 : i32
    %dma_start3A = tpu.memref_slice %arg2[%mul3A_2] : memref<16384xi32, #tpu.memory_space<hbm>> -> memref<512xi32, #tpu.memory_space<hbm>>
    %dma_start3A_3 = tpu.memref_slice %arg2[%mul3A_2] : memref<16384xi32, #tpu.memory_space<hbm>> -> memref<512xi32, #tpu.memory_space<hbm>>
    tpu.enqueue_dma source(%dma_start3A_3 : memref<512xi32, #tpu.memory_space<hbm>>) target(%arg4 : memref<512xi32, #tpu.memory_space<vmem>>) target_semaphore(%arg7 : memref<!tpu.dma_semaphore, #tpu.memory_space<semaphore_mem>>)
    %broadcast_in_dim3A = arith.constant 0.000000e+00 : f32
    %broadcast_in_dim3A_4 = vector.broadcast %broadcast_in_dim3A : f32 to vector<16xf32>
    %broadcast_in_dim3A_5 = arith.constant 1.000000e+00 : f32
    %broadcast_in_dim3A_6 = vector.broadcast %broadcast_in_dim3A_5 : f32 to vector<16xf32>
    %iota3A = tpu.iota {dimensions = array<i32: 0>} : vector<16xi32>
    %scan3A = arith.constant 0 : i32
    %scan3A_7 = arith.constant 0 : i32
    %scan3A_8 = arith.constant 50 : i32
    %scan3A_9 = arith.addi %scan3A_7, %scan3A_8 : i32
    %scan3A_10 = arith.constant 1 : i32
    scf.for %scan3A_275 = %scan3A_7 to %scan3A_9 step %scan3A_10  : i32 {
      %mul3A_276 = arith.constant 4 : i32
      %mul3A_277 = arith.muli %scan3A_275, %mul3A_276 : i32
      %add3A_278 = arith.constant 0 : i32
      %add3A_279 = arith.addi %mul3A_277, %add3A_278 : i32
      %swap3A = arith.index_cast %add3A_279 : i32 to index
      %swap3A_280 = arith.constant 0 : index
      %swap3A_281 = tpu.vector_load %arg5[%swap3A, %swap3A_280] {strides = array<i32>} : memref<200x128xf32, #tpu.memory_space<vmem>>, vector<16xf32>,
      tpu.vector_store %arg5[%swap3A, %swap3A_280], %broadcast_in_dim3A_4 {strides = array<i32>} : memref<200x128xf32, #tpu.memory_space<vmem>>, vector<16xf32>,
      %mul3A_282 = arith.constant 4 : i32
      %mul3A_283 = arith.muli %scan3A_275, %mul3A_282 : i32
      %add3A_284 = arith.constant 0 : i32
      %add3A_285 = arith.addi %mul3A_283, %add3A_284 : i32
      %swap3A_286 = arith.index_cast %add3A_285 : i32 to index
      %swap3A_287 = arith.constant 16 : index
      %swap3A_288 = tpu.vector_load %arg5[%swap3A_286, %swap3A_287] {strides = array<i32>} : memref<200x128xf32, #tpu.memory_space<vmem>>, vector<16xf32>,
      tpu.vector_store %arg5[%swap3A_286, %swap3A_287], %broadcast_in_dim3A_4 {strides = array<i32>} : memref<200x128xf32, #tpu.memory_space<vmem>>, vector<16xf32>,
      %mul3A_289 = arith.constant 4 : i32
      %mul3A_290 = arith.muli %scan3A_275, %mul3A_289 : i32
      %add3A_291 = arith.constant 0 : i32
      %add3A_292 = arith.addi %mul3A_290, %add3A_291 : i32
      %swap3A_293 = arith.index_cast %add3A_292 : i32 to index
      %swap3A_294 = arith.constant 32 : index
      %swap3A_295 = tpu.vector_load %arg5[%swap3A_293, %swap3A_294] {strides = array<i32>} : memref<200x128xf32, #tpu.memory_space<vmem>>, vector<16xf32>,
      tpu.vector_store %arg5[%swap3A_293, %swap3A_294], %broadcast_in_dim3A_4 {strides = array<i32>} : memref<200x128xf32, #tpu.memory_space<vmem>>, vector<16xf32>,
      %mul3A_296 = arith.constant 4 : i32
      %mul3A_297 = arith.muli %scan3A_275, %mul3A_296 : i32
      %add3A_298 = arith.constant 0 : i32
      %add3A_299 = arith.addi %mul3A_297, %add3A_298 : i32
      %swap3A_300 = arith.index_cast %add3A_299 : i32 to index
      %swap3A_301 = arith.constant 48 : index
      %swap3A_302 = tpu.vector_load %arg5[%swap3A_300, %swap3A_301] {strides = array<i32>} : memref<200x128xf32, #tpu.memory_space<vmem>>, vector<16xf32>,
      tpu.vector_store %arg5[%swap3A_300, %swap3A_301], %broadcast_in_dim3A_4 {strides = array<i32>} : memref<200x128xf32, #tpu.memory_space<vmem>>, vector<16xf32>,
      %mul3A_303 = arith.constant 4 : i32
      %mul3A_304 = arith.muli %scan3A_275, %mul3A_303 : i32
      %add3A_305 = arith.constant 0 : i32
      %add3A_306 = arith.addi %mul3A_304, %add3A_305 : i32
      %swap3A_307 = arith.index_cast %add3A_306 : i32 to index
      %swap3A_308 = arith.constant 64 : index
      %swap3A_309 = tpu.vector_load %arg5[%swap3A_307, %swap3A_308] {strides = array<i32>} : memref<200x128xf32, #tpu.memory_space<vmem>>, vector<16xf32>,
      tpu.vector_store %arg5[%swap3A_307, %swap3A_308], %broadcast_in_dim3A_4 {strides = array<i32>} : memref<200x128xf32, #tpu.memory_space<vmem>>, vector<16xf32>,
      %mul3A_310 = arith.constant 4 : i32
      %mul3A_311 = arith.muli %scan3A_275, %mul3A_310 : i32
      %add3A_312 = arith.constant 0 : i32
      %add3A_313 = arith.addi %mul3A_311, %add3A_312 : i32
      %swap3A_314 = arith.index_cast %add3A_313 : i32 to index
      %swap3A_315 = arith.constant 80 : index
      %swap3A_316 = tpu.vector_load %arg5[%swap3A_314, %swap3A_315] {strides = array<i32>} : memref<200x128xf32, #tpu.memory_space<vmem>>, vector<16xf32>,
      tpu.vector_store %arg5[%swap3A_314, %swap3A_315], %broadcast_in_dim3A_4 {strides = array<i32>} : memref<200x128xf32, #tpu.memory_space<vmem>>, vector<16xf32>,
      %mul3A_317 = arith.constant 4 : i32
      %mul3A_318 = arith.muli %scan3A_275, %mul3A_317 : i32
      %add3A_319 = arith.constant 0 : i32
      %add3A_320 = arith.addi %mul3A_318, %add3A_319 : i32
      %swap3A_321 = arith.index_cast %add3A_320 : i32 to index
      %swap3A_322 = arith.constant 96 : index
      %swap3A_323 = tpu.vector_load %arg5[%swap3A_321, %swap3A_322] {strides = array<i32>} : memref<200x128xf32, #tpu.memory_space<vmem>>, vector<16xf32>,
      tpu.vector_store %arg5[%swap3A_321, %swap3A_322], %broadcast_in_dim3A_4 {strides = array<i32>} : memref<200x128xf32, #tpu.memory_space<vmem>>, vector<16xf32>,
      %mul3A_324 = arith.constant 4 : i32
      %mul3A_325 = arith.muli %scan3A_275, %mul3A_324 : i32
      %add3A_326 = arith.constant 0 : i32
      %add3A_327 = arith.addi %mul3A_325, %add3A_326 : i32
      %swap3A_328 = arith.index_cast %add3A_327 : i32 to index
      %swap3A_329 = arith.constant 112 : index
      %swap3A_330 = tpu.vector_load %arg5[%swap3A_328, %swap3A_329] {strides = array<i32>} : memref<200x128xf32, #tpu.memory_space<vmem>>, vector<16xf32>,
      tpu.vector_store %arg5[%swap3A_328, %swap3A_329], %broadcast_in_dim3A_4 {strides = array<i32>} : memref<200x128xf32, #tpu.memory_space<vmem>>, vector<16xf32>,
      %mul3A_331 = arith.constant 4 : i32
      %mul3A_332 = arith.muli %scan3A_275, %mul3A_331 : i32
      %add3A_333 = arith.constant 1 : i32
      %add3A_334 = arith.addi %mul3A_332, %add3A_333 : i32
      %swap3A_335 = arith.index_cast %add3A_334 : i32 to index
      %swap3A_336 = arith.constant 0 : index
      %swap3A_337 = tpu.vector_load %arg5[%swap3A_335, %swap3A_336] {strides = array<i32>} : memref<200x128xf32, #tpu.memory_space<vmem>>, vector<16xf32>,
      tpu.vector_store %arg5[%swap3A_335, %swap3A_336], %broadcast_in_dim3A_4 {strides = array<i32>} : memref<200x128xf32, #tpu.memory_space<vmem>>, vector<16xf32>,
      %mul3A_338 = arith.constant 4 : i32
      %mul3A_339 = arith.muli %scan3A_275, %mul3A_338 : i32
      %add3A_340 = arith.constant 1 : i32
      %add3A_341 = arith.addi %mul3A_339, %add3A_340 : i32
      %swap3A_342 = arith.index_cast %add3A_341 : i32 to index
      %swap3A_343 = arith.constant 16 : index
      %swap3A_344 = tpu.vector_load %arg5[%swap3A_342, %swap3A_343] {strides = array<i32>} : memref<200x128xf32, #tpu.memory_space<vmem>>, vector<16xf32>,
      tpu.vector_store %arg5[%swap3A_342, %swap3A_343], %broadcast_in_dim3A_4 {strides = array<i32>} : memref<200x128xf32, #tpu.memory_space<vmem>>, vector<16xf32>,
      %mul3A_345 = arith.constant 4 : i32
      %mul3A_346 = arith.muli %scan3A_275, %mul3A_345 : i32
      %add3A_347 = arith.constant 1 : i32
      %add3A_348 = arith.addi %mul3A_346, %add3A_347 : i32
      %swap3A_349 = arith.index_cast %add3A_348 : i32 to index
      %swap3A_350 = arith.constant 32 : index
      %swap3A_351 = tpu.vector_load %arg5[%swap3A_349, %swap3A_350] {strides = array<i32>} : memref<200x128xf32, #tpu.memory_space<vmem>>, vector<16xf32>,
      tpu.vector_store %arg5[%swap3A_349, %swap3A_350], %broadcast_in_dim3A_4 {strides = array<i32>} : memref<200x128xf32, #tpu.memory_space<vmem>>, vector<16xf32>,
      %mul3A_352 = arith.constant 4 : i32
      %mul3A_353 = arith.muli %scan3A_275, %mul3A_352 : i32
      %add3A_354 = arith.constant 1 : i32
      %add3A_355 = arith.addi %mul3A_353, %add3A_354 : i32
      %swap3A_356 = arith.index_cast %add3A_355 : i32 to index
      %swap3A_357 = arith.constant 48 : index
      %swap3A_358 = tpu.vector_load %arg5[%swap3A_356, %swap3A_357] {strides = array<i32>} : memref<200x128xf32, #tpu.memory_space<vmem>>, vector<16xf32>,
      tpu.vector_store %arg5[%swap3A_356, %swap3A_357], %broadcast_in_dim3A_4 {strides = array<i32>} : memref<200x128xf32, #tpu.memory_space<vmem>>, vector<16xf32>,
      %mul3A_359 = arith.constant 4 : i32
      %mul3A_360 = arith.muli %scan3A_275, %mul3A_359 : i32
      %add3A_361 = arith.constant 1 : i32
      %add3A_362 = arith.addi %mul3A_360, %add3A_361 : i32
      %swap3A_363 = arith.index_cast %add3A_362 : i32 to index
      %swap3A_364 = arith.constant 64 : index
      %swap3A_365 = tpu.vector_load %arg5[%swap3A_363, %swap3A_364] {strides = array<i32>} : memref<200x128xf32, #tpu.memory_space<vmem>>, vector<16xf32>,
      tpu.vector_store %arg5[%swap3A_363, %swap3A_364], %broadcast_in_dim3A_4 {strides = array<i32>} : memref<200x128xf32, #tpu.memory_space<vmem>>, vector<16xf32>,
      %mul3A_366 = arith.constant 4 : i32
      %mul3A_367 = arith.muli %scan3A_275, %mul3A_366 : i32
      %add3A_368 = arith.constant 1 : i32
      %add3A_369 = arith.addi %mul3A_367, %add3A_368 : i32
      %swap3A_370 = arith.index_cast %add3A_369 : i32 to index
      %swap3A_371 = arith.constant 80 : index
      %swap3A_372 = tpu.vector_load %arg5[%swap3A_370, %swap3A_371] {strides = array<i32>} : memref<200x128xf32, #tpu.memory_space<vmem>>, vector<16xf32>,
      tpu.vector_store %arg5[%swap3A_370, %swap3A_371], %broadcast_in_dim3A_4 {strides = array<i32>} : memref<200x128xf32, #tpu.memory_space<vmem>>, vector<16xf32>,
      %mul3A_373 = arith.constant 4 : i32
      %mul3A_374 = arith.muli %scan3A_275, %mul3A_373 : i32
      %add3A_375 = arith.constant 1 : i32
      %add3A_376 = arith.addi %mul3A_374, %add3A_375 : i32
      %swap3A_377 = arith.index_cast %add3A_376 : i32 to index
      %swap3A_378 = arith.constant 96 : index
      %swap3A_379 = tpu.vector_load %arg5[%swap3A_377, %swap3A_378] {strides = array<i32>} : memref<200x128xf32, #tpu.memory_space<vmem>>, vector<16xf32>,
      tpu.vector_store %arg5[%swap3A_377, %swap3A_378], %broadcast_in_dim3A_4 {strides = array<i32>} : memref<200x128xf32, #tpu.memory_space<vmem>>, vector<16xf32>,
      %mul3A_380 = arith.constant 4 : i32
      %mul3A_381 = arith.muli %scan3A_275, %mul3A_380 : i32
      %add3A_382 = arith.constant 1 : i32
      %add3A_383 = arith.addi %mul3A_381, %add3A_382 : i32
      %swap3A_384 = arith.index_cast %add3A_383 : i32 to index
      %swap3A_385 = arith.constant 112 : index
      %swap3A_386 = tpu.vector_load %arg5[%swap3A_384, %swap3A_385] {strides = array<i32>} : memref<200x128xf32, #tpu.memory_space<vmem>>, vector<16xf32>,
      tpu.vector_store %arg5[%swap3A_384, %swap3A_385], %broadcast_in_dim3A_4 {strides = array<i32>} : memref<200x128xf32, #tpu.memory_space<vmem>>, vector<16xf32>,
      %mul3A_387 = arith.constant 4 : i32
      %mul3A_388 = arith.muli %scan3A_275, %mul3A_387 : i32
      %add3A_389 = arith.constant 2 : i32
      %add3A_390 = arith.addi %mul3A_388, %add3A_389 : i32
      %swap3A_391 = arith.index_cast %add3A_390 : i32 to index
      %swap3A_392 = arith.constant 0 : index
      %swap3A_393 = tpu.vector_load %arg5[%swap3A_391, %swap3A_392] {strides = array<i32>} : memref<200x128xf32, #tpu.memory_space<vmem>>, vector<16xf32>,
      tpu.vector_store %arg5[%swap3A_391, %swap3A_392], %broadcast_in_dim3A_4 {strides = array<i32>} : memref<200x128xf32, #tpu.memory_space<vmem>>, vector<16xf32>,
      %mul3A_394 = arith.constant 4 : i32
      %mul3A_395 = arith.muli %scan3A_275, %mul3A_394 : i32
      %add3A_396 = arith.constant 2 : i32
      %add3A_397 = arith.addi %mul3A_395, %add3A_396 : i32
      %swap3A_398 = arith.index_cast %add3A_397 : i32 to index
      %swap3A_399 = arith.constant 16 : index
      %swap3A_400 = tpu.vector_load %arg5[%swap3A_398, %swap3A_399] {strides = array<i32>} : memref<200x128xf32, #tpu.memory_space<vmem>>, vector<16xf32>,
      tpu.vector_store %arg5[%swap3A_398, %swap3A_399], %broadcast_in_dim3A_4 {strides = array<i32>} : memref<200x128xf32, #tpu.memory_space<vmem>>, vector<16xf32>,
      %mul3A_401 = arith.constant 4 : i32
      %mul3A_402 = arith.muli %scan3A_275, %mul3A_401 : i32
      %add3A_403 = arith.constant 2 : i32
      %add3A_404 = arith.addi %mul3A_402, %add3A_403 : i32
      %swap3A_405 = arith.index_cast %add3A_404 : i32 to index
      %swap3A_406 = arith.constant 32 : index
      %swap3A_407 = tpu.vector_load %arg5[%swap3A_405, %swap3A_406] {strides = array<i32>} : memref<200x128xf32, #tpu.memory_space<vmem>>, vector<16xf32>,
      tpu.vector_store %arg5[%swap3A_405, %swap3A_406], %broadcast_in_dim3A_4 {strides = array<i32>} : memref<200x128xf32, #tpu.memory_space<vmem>>, vector<16xf32>,
      %mul3A_408 = arith.constant 4 : i32
      %mul3A_409 = arith.muli %scan3A_275, %mul3A_408 : i32
      %add3A_410 = arith.constant 2 : i32
      %add3A_411 = arith.addi %mul3A_409, %add3A_410 : i32
      %swap3A_412 = arith.index_cast %add3A_411 : i32 to index
      %swap3A_413 = arith.constant 48 : index
      %swap3A_414 = tpu.vector_load %arg5[%swap3A_412, %swap3A_413] {strides = array<i32>} : memref<200x128xf32, #tpu.memory_space<vmem>>, vector<16xf32>,
      tpu.vector_store %arg5[%swap3A_412, %swap3A_413], %broadcast_in_dim3A_4 {strides = array<i32>} : memref<200x128xf32, #tpu.memory_space<vmem>>, vector<16xf32>,
      %mul3A_415 = arith.constant 4 : i32
      %mul3A_416 = arith.muli %scan3A_275, %mul3A_415 : i32
      %add3A_417 = arith.constant 2 : i32
      %add3A_418 = arith.addi %mul3A_416, %add3A_417 : i32
      %swap3A_419 = arith.index_cast %add3A_418 : i32 to index
      %swap3A_420 = arith.constant 64 : index
      %swap3A_421 = tpu.vector_load %arg5[%swap3A_419, %swap3A_420] {strides = array<i32>} : memref<200x128xf32, #tpu.memory_space<vmem>>, vector<16xf32>,
      tpu.vector_store %arg5[%swap3A_419, %swap3A_420], %broadcast_in_dim3A_4 {strides = array<i32>} : memref<200x128xf32, #tpu.memory_space<vmem>>, vector<16xf32>,
      %mul3A_422 = arith.constant 4 : i32
      %mul3A_423 = arith.muli %scan3A_275, %mul3A_422 : i32
      %add3A_424 = arith.constant 2 : i32
      %add3A_425 = arith.addi %mul3A_423, %add3A_424 : i32
      %swap3A_426 = arith.index_cast %add3A_425 : i32 to index
      %swap3A_427 = arith.constant 80 : index
      %swap3A_428 = tpu.vector_load %arg5[%swap3A_426, %swap3A_427] {strides = array<i32>} : memref<200x128xf32, #tpu.memory_space<vmem>>, vector<16xf32>,
      tpu.vector_store %arg5[%swap3A_426, %swap3A_427], %broadcast_in_dim3A_4 {strides = array<i32>} : memref<200x128xf32, #tpu.memory_space<vmem>>, vector<16xf32>,
      %mul3A_429 = arith.constant 4 : i32
      %mul3A_430 = arith.muli %scan3A_275, %mul3A_429 : i32
      %add3A_431 = arith.constant 2 : i32
      %add3A_432 = arith.addi %mul3A_430, %add3A_431 : i32
      %swap3A_433 = arith.index_cast %add3A_432 : i32 to index
      %swap3A_434 = arith.constant 96 : index
      %swap3A_435 = tpu.vector_load %arg5[%swap3A_433, %swap3A_434] {strides = array<i32>} : memref<200x128xf32, #tpu.memory_space<vmem>>, vector<16xf32>,
      tpu.vector_store %arg5[%swap3A_433, %swap3A_434], %broadcast_in_dim3A_4 {strides = array<i32>} : memref<200x128xf32, #tpu.memory_space<vmem>>, vector<16xf32>,
      %mul3A_436 = arith.constant 4 : i32
      %mul3A_437 = arith.muli %scan3A_275, %mul3A_436 : i32
      %add3A_438 = arith.constant 2 : i32
      %add3A_439 = arith.addi %mul3A_437, %add3A_438 : i32
      %swap3A_440 = arith.index_cast %add3A_439 : i32 to index
      %swap3A_441 = arith.constant 112 : index
      %swap3A_442 = tpu.vector_load %arg5[%swap3A_440, %swap3A_441] {strides = array<i32>} : memref<200x128xf32, #tpu.memory_space<vmem>>, vector<16xf32>,
      tpu.vector_store %arg5[%swap3A_440, %swap3A_441], %broadcast_in_dim3A_4 {strides = array<i32>} : memref<200x128xf32, #tpu.memory_space<vmem>>, vector<16xf32>,
      %mul3A_443 = arith.constant 4 : i32
      %mul3A_444 = arith.muli %scan3A_275, %mul3A_443 : i32
      %add3A_445 = arith.constant 3 : i32
      %add3A_446 = arith.addi %mul3A_444, %add3A_445 : i32
      %swap3A_447 = arith.index_cast %add3A_446 : i32 to index
      %swap3A_448 = arith.constant 0 : index
      %swap3A_449 = tpu.vector_load %arg5[%swap3A_447, %swap3A_448] {strides = array<i32>} : memref<200x128xf32, #tpu.memory_space<vmem>>, vector<16xf32>,
      tpu.vector_store %arg5[%swap3A_447, %swap3A_448], %broadcast_in_dim3A_4 {strides = array<i32>} : memref<200x128xf32, #tpu.memory_space<vmem>>, vector<16xf32>,
      %mul3A_450 = arith.constant 4 : i32
      %mul3A_451 = arith.muli %scan3A_275, %mul3A_450 : i32
      %add3A_452 = arith.constant 3 : i32
      %add3A_453 = arith.addi %mul3A_451, %add3A_452 : i32
      %swap3A_454 = arith.index_cast %add3A_453 : i32 to index
      %swap3A_455 = arith.constant 16 : index
      %swap3A_456 = tpu.vector_load %arg5[%swap3A_454, %swap3A_455] {strides = array<i32>} : memref<200x128xf32, #tpu.memory_space<vmem>>, vector<16xf32>,
      tpu.vector_store %arg5[%swap3A_454, %swap3A_455], %broadcast_in_dim3A_4 {strides = array<i32>} : memref<200x128xf32, #tpu.memory_space<vmem>>, vector<16xf32>,
      %mul3A_457 = arith.constant 4 : i32
      %mul3A_458 = arith.muli %scan3A_275, %mul3A_457 : i32
      %add3A_459 = arith.constant 3 : i32
      %add3A_460 = arith.addi %mul3A_458, %add3A_459 : i32
      %swap3A_461 = arith.index_cast %add3A_460 : i32 to index
      %swap3A_462 = arith.constant 32 : index
      %swap3A_463 = tpu.vector_load %arg5[%swap3A_461, %swap3A_462] {strides = array<i32>} : memref<200x128xf32, #tpu.memory_space<vmem>>, vector<16xf32>,
      tpu.vector_store %arg5[%swap3A_461, %swap3A_462], %broadcast_in_dim3A_4 {strides = array<i32>} : memref<200x128xf32, #tpu.memory_space<vmem>>, vector<16xf32>,
      %mul3A_464 = arith.constant 4 : i32
      %mul3A_465 = arith.muli %scan3A_275, %mul3A_464 : i32
      %add3A_466 = arith.constant 3 : i32
      %add3A_467 = arith.addi %mul3A_465, %add3A_466 : i32
      %swap3A_468 = arith.index_cast %add3A_467 : i32 to index
      %swap3A_469 = arith.constant 48 : index
      %swap3A_470 = tpu.vector_load %arg5[%swap3A_468, %swap3A_469] {strides = array<i32>} : memref<200x128xf32, #tpu.memory_space<vmem>>, vector<16xf32>,
      tpu.vector_store %arg5[%swap3A_468, %swap3A_469], %broadcast_in_dim3A_4 {strides = array<i32>} : memref<200x128xf32, #tpu.memory_space<vmem>>, vector<16xf32>,
      %mul3A_471 = arith.constant 4 : i32
      %mul3A_472 = arith.muli %scan3A_275, %mul3A_471 : i32
      %add3A_473 = arith.constant 3 : i32
      %add3A_474 = arith.addi %mul3A_472, %add3A_473 : i32
      %swap3A_475 = arith.index_cast %add3A_474 : i32 to index
      %swap3A_476 = arith.constant 64 : index
      %swap3A_477 = tpu.vector_load %arg5[%swap3A_475, %swap3A_476] {strides = array<i32>} : memref<200x128xf32, #tpu.memory_space<vmem>>, vector<16xf32>,
      tpu.vector_store %arg5[%swap3A_475, %swap3A_476], %broadcast_in_dim3A_4 {strides = array<i32>} : memref<200x128xf32, #tpu.memory_space<vmem>>, vector<16xf32>,
      %mul3A_478 = arith.constant 4 : i32
      %mul3A_479 = arith.muli %scan3A_275, %mul3A_478 : i32
      %add3A_480 = arith.constant 3 : i32
      %add3A_481 = arith.addi %mul3A_479, %add3A_480 : i32
      %swap3A_482 = arith.index_cast %add3A_481 : i32 to index
      %swap3A_483 = arith.constant 80 : index
      %swap3A_484 = tpu.vector_load %arg5[%swap3A_482, %swap3A_483] {strides = array<i32>} : memref<200x128xf32, #tpu.memory_space<vmem>>, vector<16xf32>,
      tpu.vector_store %arg5[%swap3A_482, %swap3A_483], %broadcast_in_dim3A_4 {strides = array<i32>} : memref<200x128xf32, #tpu.memory_space<vmem>>, vector<16xf32>,
      %mul3A_485 = arith.constant 4 : i32
      %mul3A_486 = arith.muli %scan3A_275, %mul3A_485 : i32
      %add3A_487 = arith.constant 3 : i32
      %add3A_488 = arith.addi %mul3A_486, %add3A_487 : i32
      %swap3A_489 = arith.index_cast %add3A_488 : i32 to index
      %swap3A_490 = arith.constant 96 : index
      %swap3A_491 = tpu.vector_load %arg5[%swap3A_489, %swap3A_490] {strides = array<i32>} : memref<200x128xf32, #tpu.memory_space<vmem>>, vector<16xf32>,
      tpu.vector_store %arg5[%swap3A_489, %swap3A_490], %broadcast_in_dim3A_4 {strides = array<i32>} : memref<200x128xf32, #tpu.memory_space<vmem>>, vector<16xf32>,
      %mul3A_492 = arith.constant 4 : i32
      %mul3A_493 = arith.muli %scan3A_275, %mul3A_492 : i32
      %add3A_494 = arith.constant 3 : i32
      %add3A_495 = arith.addi %mul3A_493, %add3A_494 : i32
      %swap3A_496 = arith.index_cast %add3A_495 : i32 to index
      %swap3A_497 = arith.constant 112 : index
      %swap3A_498 = tpu.vector_load %arg5[%swap3A_496, %swap3A_497] {strides = array<i32>} : memref<200x128xf32, #tpu.memory_space<vmem>>, vector<16xf32>,
      tpu.vector_store %arg5[%swap3A_496, %swap3A_497], %broadcast_in_dim3A_4 {strides = array<i32>} : memref<200x128xf32, #tpu.memory_space<vmem>>, vector<16xf32>,
    }
    %scan3A_11 = arith.constant 50 : i32
    %dma_wait3A = tpu.memref_slice %arg2[%mul3A_2] : memref<16384xi32, #tpu.memory_space<hbm>> -> memref<512xi32, #tpu.memory_space<hbm>>
    %dma_wait3A_12 = tpu.memref_slice %arg2[%mul3A_2] : memref<16384xi32, #tpu.memory_space<hbm>> -> memref<512xi32, #tpu.memory_space<hbm>>
    tpu.wait_dma2 semaphore(%arg7 : memref<!tpu.dma_semaphore, #tpu.memory_space<semaphore_mem>>) src(%dma_wait3A_12 : memref<512xi32, #tpu.memory_space<hbm>>) dst(%arg4 : memref<512xi32, #tpu.memory_space<vmem>>)
    %multiple_of3A = arith.constant 0 : i32
    %multiple_of3A_13 = tpu.assume_multiple %multiple_of3A, 8 : i32
    %get3A = arith.constant 0 : index
    %get3A_14 = tpu.vector_load %arg4[%get3A] {strides = array<i32>} : memref<512xi32, #tpu.memory_space<vmem>>, vector<16xi32>,
    %add3A_15 = arith.constant 0 : i32
    %add3A_16 = vector.broadcast %add3A_15 : i32 to vector<16xi32>
    %add3A_17 = arith.addi %add3A_16, %iota3A : vector<16xi32>
    %ge3A = vector.broadcast %multiple_of3A_13 : i32 to vector<16xi32>
    %ge3A_18 = arith.cmpi sge, %get3A_14, %ge3A : vector<16xi32>
    %add3A_19 = arith.constant 200 : i32
    %add3A_20 = arith.addi %multiple_of3A_13, %add3A_19 : i32
    %lt3A = vector.broadcast %add3A_20 : i32 to vector<16xi32>
    %lt3A_21 = arith.cmpi slt, %get3A_14, %lt3A : vector<16xi32>
    %and3A = arith.andi %ge3A_18, %lt3A_21 : vector<16xi1>
    %sub3A = vector.broadcast %multiple_of3A_13 : i32 to vector<16xi32>
    %sub3A_22 = arith.subi %get3A_14, %sub3A : vector<16xi32>
    tpu.vector_store_idx %arg5[%sub3A_22, %add3A_17], %broadcast_in_dim3A_6 masked %and3A : memref<200x128xf32, #tpu.memory_space<vmem>>[vector<16xi32>, vector<16xi32>], vector<16xf32>, vector<16xi1>
    %get3A_23 = arith.constant 16 : index
    %get3A_24 = tpu.vector_load %arg4[%get3A_23] {strides = array<i32>} : memref<512xi32, #tpu.memory_space<vmem>>, vector<16xi32>,
    %add3A_25 = arith.constant 16 : i32
    %add3A_26 = vector.broadcast %add3A_25 : i32 to vector<16xi32>
    %add3A_27 = arith.addi %add3A_26, %iota3A : vector<16xi32>
    %ge3A_28 = vector.broadcast %multiple_of3A_13 : i32 to vector<16xi32>
    %ge3A_29 = arith.cmpi sge, %get3A_24, %ge3A_28 : vector<16xi32>
    %add3A_30 = arith.constant 200 : i32
    %add3A_31 = arith.addi %multiple_of3A_13, %add3A_30 : i32
    %lt3A_32 = vector.broadcast %add3A_31 : i32 to vector<16xi32>
    %lt3A_33 = arith.cmpi slt, %get3A_24, %lt3A_32 : vector<16xi32>
    %and3A_34 = arith.andi %ge3A_29, %lt3A_33 : vector<16xi1>
    %sub3A_35 = vector.broadcast %multiple_of3A_13 : i32 to vector<16xi32>
    %sub3A_36 = arith.subi %get3A_24, %sub3A_35 : vector<16xi32>
    tpu.vector_store_idx %arg5[%sub3A_36, %add3A_27], %broadcast_in_dim3A_6 masked %and3A_34 : memref<200x128xf32, #tpu.memory_space<vmem>>[vector<16xi32>, vector<16xi32>], vector<16xf32>, vector<16xi1>
    %get3A_37 = arith.constant 32 : index
    %get3A_38 = tpu.vector_load %arg4[%get3A_37] {strides = array<i32>} : memref<512xi32, #tpu.memory_space<vmem>>, vector<16xi32>,
    %add3A_39 = arith.constant 32 : i32
    %add3A_40 = vector.broadcast %add3A_39 : i32 to vector<16xi32>
    %add3A_41 = arith.addi %add3A_40, %iota3A : vector<16xi32>
    %ge3A_42 = vector.broadcast %multiple_of3A_13 : i32 to vector<16xi32>
    %ge3A_43 = arith.cmpi sge, %get3A_38, %ge3A_42 : vector<16xi32>
    %add3A_44 = arith.constant 200 : i32
    %add3A_45 = arith.addi %multiple_of3A_13, %add3A_44 : i32
    %lt3A_46 = vector.broadcast %add3A_45 : i32 to vector<16xi32>
    %lt3A_47 = arith.cmpi slt, %get3A_38, %lt3A_46 : vector<16xi32>
    %and3A_48 = arith.andi %ge3A_43, %lt3A_47 : vector<16xi1>
    %sub3A_49 = vector.broadcast %multiple_of3A_13 : i32 to vector<16xi32>
    %sub3A_50 = arith.subi %get3A_38, %sub3A_49 : vector<16xi32>
    tpu.vector_store_idx %arg5[%sub3A_50, %add3A_41], %broadcast_in_dim3A_6 masked %and3A_48 : memref<200x128xf32, #tpu.memory_space<vmem>>[vector<16xi32>, vector<16xi32>], vector<16xf32>, vector<16xi1>
    %get3A_51 = arith.constant 48 : index
    %get3A_52 = tpu.vector_load %arg4[%get3A_51] {strides = array<i32>} : memref<512xi32, #tpu.memory_space<vmem>>, vector<16xi32>,
    %add3A_53 = arith.constant 48 : i32
    %add3A_54 = vector.broadcast %add3A_53 : i32 to vector<16xi32>
    %add3A_55 = arith.addi %add3A_54, %iota3A : vector<16xi32>
    %ge3A_56 = vector.broadcast %multiple_of3A_13 : i32 to vector<16xi32>
    %ge3A_57 = arith.cmpi sge, %get3A_52, %ge3A_56 : vector<16xi32>
    %add3A_58 = arith.constant 200 : i32
    %add3A_59 = arith.addi %multiple_of3A_13, %add3A_58 : i32
    %lt3A_60 = vector.broadcast %add3A_59 : i32 to vector<16xi32>
    %lt3A_61 = arith.cmpi slt, %get3A_52, %lt3A_60 : vector<16xi32>
    %and3A_62 = arith.andi %ge3A_57, %lt3A_61 : vector<16xi1>
    %sub3A_63 = vector.broadcast %multiple_of3A_13 : i32 to vector<16xi32>
    %sub3A_64 = arith.subi %get3A_52, %sub3A_63 : vector<16xi32>
    tpu.vector_store_idx %arg5[%sub3A_64, %add3A_55], %broadcast_in_dim3A_6 masked %and3A_62 : memref<200x128xf32, #tpu.memory_space<vmem>>[vector<16xi32>, vector<16xi32>], vector<16xf32>, vector<16xi1>
    %get3A_65 = arith.constant 64 : index
    %get3A_66 = tpu.vector_load %arg4[%get3A_65] {strides = array<i32>} : memref<512xi32, #tpu.memory_space<vmem>>, vector<16xi32>,
    %add3A_67 = arith.constant 64 : i32
    %add3A_68 = vector.broadcast %add3A_67 : i32 to vector<16xi32>
    %add3A_69 = arith.addi %add3A_68, %iota3A : vector<16xi32>
    %ge3A_70 = vector.broadcast %multiple_of3A_13 : i32 to vector<16xi32>
    %ge3A_71 = arith.cmpi sge, %get3A_66, %ge3A_70 : vector<16xi32>
    %add3A_72 = arith.constant 200 : i32
    %add3A_73 = arith.addi %multiple_of3A_13, %add3A_72 : i32
    %lt3A_74 = vector.broadcast %add3A_73 : i32 to vector<16xi32>
    %lt3A_75 = arith.cmpi slt, %get3A_66, %lt3A_74 : vector<16xi32>
    %and3A_76 = arith.andi %ge3A_71, %lt3A_75 : vector<16xi1>
    %sub3A_77 = vector.broadcast %multiple_of3A_13 : i32 to vector<16xi32>
    %sub3A_78 = arith.subi %get3A_66, %sub3A_77 : vector<16xi32>
    tpu.vector_store_idx %arg5[%sub3A_78, %add3A_69], %broadcast_in_dim3A_6 masked %and3A_76 : memref<200x128xf32, #tpu.memory_space<vmem>>[vector<16xi32>, vector<16xi32>], vector<16xf32>, vector<16xi1>
    %get3A_79 = arith.constant 80 : index
    %get3A_80 = tpu.vector_load %arg4[%get3A_79] {strides = array<i32>} : memref<512xi32, #tpu.memory_space<vmem>>, vector<16xi32>,
    %add3A_81 = arith.constant 80 : i32
    %add3A_82 = vector.broadcast %add3A_81 : i32 to vector<16xi32>
    %add3A_83 = arith.addi %add3A_82, %iota3A : vector<16xi32>
    %ge3A_84 = vector.broadcast %multiple_of3A_13 : i32 to vector<16xi32>
    %ge3A_85 = arith.cmpi sge, %get3A_80, %ge3A_84 : vector<16xi32>
    %add3A_86 = arith.constant 200 : i32
    %add3A_87 = arith.addi %multiple_of3A_13, %add3A_86 : i32
    %lt3A_88 = vector.broadcast %add3A_87 : i32 to vector<16xi32>
    %lt3A_89 = arith.cmpi slt, %get3A_80, %lt3A_88 : vector<16xi32>
    %and3A_90 = arith.andi %ge3A_85, %lt3A_89 : vector<16xi1>
    %sub3A_91 = vector.broadcast %multiple_of3A_13 : i32 to vector<16xi32>
    %sub3A_92 = arith.subi %get3A_80, %sub3A_91 : vector<16xi32>
    tpu.vector_store_idx %arg5[%sub3A_92, %add3A_83], %broadcast_in_dim3A_6 masked %and3A_90 : memref<200x128xf32, #tpu.memory_space<vmem>>[vector<16xi32>, vector<16xi32>], vector<16xf32>, vector<16xi1>
    %get3A_93 = arith.constant 96 : index
    %get3A_94 = tpu.vector_load %arg4[%get3A_93] {strides = array<i32>} : memref<512xi32, #tpu.memory_space<vmem>>, vector<16xi32>,
    %add3A_95 = arith.constant 96 : i32
    %add3A_96 = vector.broadcast %add3A_95 : i32 to vector<16xi32>
    %add3A_97 = arith.addi %add3A_96, %iota3A : vector<16xi32>
    %ge3A_98 = vector.broadcast %multiple_of3A_13 : i32 to vector<16xi32>
    %ge3A_99 = arith.cmpi sge, %get3A_94, %ge3A_98 : vector<16xi32>
    %add3A_100 = arith.constant 200 : i32
    %add3A_101 = arith.addi %multiple_of3A_13, %add3A_100 : i32
    %lt3A_102 = vector.broadcast %add3A_101 : i32 to vector<16xi32>
    %lt3A_103 = arith.cmpi slt, %get3A_94, %lt3A_102 : vector<16xi32>
    %and3A_104 = arith.andi %ge3A_99, %lt3A_103 : vector<16xi1>
    %sub3A_105 = vector.broadcast %multiple_of3A_13 : i32 to vector<16xi32>
    %sub3A_106 = arith.subi %get3A_94, %sub3A_105 : vector<16xi32>
    tpu.vector_store_idx %arg5[%sub3A_106, %add3A_97], %broadcast_in_dim3A_6 masked %and3A_104 : memref<200x128xf32, #tpu.memory_space<vmem>>[vector<16xi32>, vector<16xi32>], vector<16xf32>, vector<16xi1>
    %get3A_107 = arith.constant 112 : index
    %get3A_108 = tpu.vector_load %arg4[%get3A_107] {strides = array<i32>} : memref<512xi32, #tpu.memory_space<vmem>>, vector<16xi32>,
    %add3A_109 = arith.constant 112 : i32
    %add3A_110 = vector.broadcast %add3A_109 : i32 to vector<16xi32>
    %add3A_111 = arith.addi %add3A_110, %iota3A : vector<16xi32>
    %ge3A_112 = vector.broadcast %multiple_of3A_13 : i32 to vector<16xi32>
    %ge3A_113 = arith.cmpi sge, %get3A_108, %ge3A_112 : vector<16xi32>
    %add3A_114 = arith.constant 200 : i32
    %add3A_115 = arith.addi %multiple_of3A_13, %add3A_114 : i32
    %lt3A_116 = vector.broadcast %add3A_115 : i32 to vector<16xi32>
    %lt3A_117 = arith.cmpi slt, %get3A_108, %lt3A_116 : vector<16xi32>
    %and3A_118 = arith.andi %ge3A_113, %lt3A_117 : vector<16xi1>
    %sub3A_119 = vector.broadcast %multiple_of3A_13 : i32 to vector<16xi32>
    %sub3A_120 = arith.subi %get3A_108, %sub3A_119 : vector<16xi32>
    tpu.vector_store_idx %arg5[%sub3A_120, %add3A_111], %broadcast_in_dim3A_6 masked %and3A_118 : memref<200x128xf32, #tpu.memory_space<vmem>>[vector<16xi32>, vector<16xi32>], vector<16xf32>, vector<16xi1>
    %multiple_of3A_121 = arith.constant 0 : i32
    %multiple_of3A_122 = tpu.assume_multiple %multiple_of3A_121, 8 : i32
    %add3A_123 = arith.constant 0 : i32
    %add3A_124 = arith.addi %mul3A_2, %add3A_123 : i32
    %multiple_of3A_125 = tpu.assume_multiple %add3A_124, 128 : i32
    %dma_start3A_126 = tpu.memref_slice %arg3[%multiple_of3A_122, %multiple_of3A_125] : memref<1000x16384xf32, #tpu.memory_space<hbm>> -> memref<200x128xf32, #tpu.memory_space<hbm>>
    %dma_start3A_127 = tpu.memref_slice %arg3[%multiple_of3A_122, %multiple_of3A_125] : memref<1000x16384xf32, #tpu.memory_space<hbm>> -> memref<200x128xf32, #tpu.memory_space<hbm>>
    tpu.enqueue_dma source(%arg5 : memref<200x128xf32, #tpu.memory_space<vmem>>) target(%dma_start3A_127 : memref<200x128xf32, #tpu.memory_space<hbm>>) target_semaphore(%arg7 : memref<!tpu.dma_semaphore, #tpu.memory_space<semaphore_mem>>)
    %scan3A_128 = arith.constant 0 : i32
    %scan3A_129 = arith.constant 0 : i32
    %scan3A_130 = arith.constant 50 : i32
    %scan3A_131 = arith.addi %scan3A_129, %scan3A_130 : i32
    %scan3A_132 = arith.constant 1 : i32
    scf.for %scan3A_275 = %scan3A_129 to %scan3A_131 step %scan3A_132  : i32 {
      %mul3A_276 = arith.constant 4 : i32
      %mul3A_277 = arith.muli %scan3A_275, %mul3A_276 : i32
      %add3A_278 = arith.constant 0 : i32
      %add3A_279 = arith.addi %mul3A_277, %add3A_278 : i32
      %swap3A = arith.index_cast %add3A_279 : i32 to index
      %swap3A_280 = arith.constant 0 : index
      %swap3A_281 = tpu.vector_load %arg6[%swap3A, %swap3A_280] {strides = array<i32>} : memref<200x128xf32, #tpu.memory_space<vmem>>, vector<16xf32>,
      tpu.vector_store %arg6[%swap3A, %swap3A_280], %broadcast_in_dim3A_4 {strides = array<i32>} : memref<200x128xf32, #tpu.memory_space<vmem>>, vector<16xf32>,
      %mul3A_282 = arith.constant 4 : i32
      %mul3A_283 = arith.muli %scan3A_275, %mul3A_282 : i32
      %add3A_284 = arith.constant 0 : i32
      %add3A_285 = arith.addi %mul3A_283, %add3A_284 : i32
      %swap3A_286 = arith.index_cast %add3A_285 : i32 to index
      %swap3A_287 = arith.constant 16 : index
      %swap3A_288 = tpu.vector_load %arg6[%swap3A_286, %swap3A_287] {strides = array<i32>} : memref<200x128xf32, #tpu.memory_space<vmem>>, vector<16xf32>,
      tpu.vector_store %arg6[%swap3A_286, %swap3A_287], %broadcast_in_dim3A_4 {strides = array<i32>} : memref<200x128xf32, #tpu.memory_space<vmem>>, vector<16xf32>,
      %mul3A_289 = arith.constant 4 : i32
      %mul3A_290 = arith.muli %scan3A_275, %mul3A_289 : i32
      %add3A_291 = arith.constant 0 : i32
      %add3A_292 = arith.addi %mul3A_290, %add3A_291 : i32
      %swap3A_293 = arith.index_cast %add3A_292 : i32 to index
      %swap3A_294 = arith.constant 32 : index
      %swap3A_295 = tpu.vector_load %arg6[%swap3A_293, %swap3A_294] {strides = array<i32>} : memref<200x128xf32, #tpu.memory_space<vmem>>, vector<16xf32>,
      tpu.vector_store %arg6[%swap3A_293, %swap3A_294], %broadcast_in_dim3A_4 {strides = array<i32>} : memref<200x128xf32, #tpu.memory_space<vmem>>, vector<16xf32>,
      %mul3A_296 = arith.constant 4 : i32
      %mul3A_297 = arith.muli %scan3A_275, %mul3A_296 : i32
      %add3A_298 = arith.constant 0 : i32
      %add3A_299 = arith.addi %mul3A_297, %add3A_298 : i32
      %swap3A_300 = arith.index_cast %add3A_299 : i32 to index
      %swap3A_301 = arith.constant 48 : index
      %swap3A_302 = tpu.vector_load %arg6[%swap3A_300, %swap3A_301] {strides = array<i32>} : memref<200x128xf32, #tpu.memory_space<vmem>>, vector<16xf32>,
      tpu.vector_store %arg6[%swap3A_300, %swap3A_301], %broadcast_in_dim3A_4 {strides = array<i32>} : memref<200x128xf32, #tpu.memory_space<vmem>>, vector<16xf32>,
      %mul3A_303 = arith.constant 4 : i32
      %mul3A_304 = arith.muli %scan3A_275, %mul3A_303 : i32
      %add3A_305 = arith.constant 0 : i32
      %add3A_306 = arith.addi %mul3A_304, %add3A_305 : i32
      %swap3A_307 = arith.index_cast %add3A_306 : i32 to index
      %swap3A_308 = arith.constant 64 : index
      %swap3A_309 = tpu.vector_load %arg6[%swap3A_307, %swap3A_308] {strides = array<i32>} : memref<200x128xf32, #tpu.memory_space<vmem>>, vector<16xf32>,
      tpu.vector_store %arg6[%swap3A_307, %swap3A_308], %broadcast_in_dim3A_4 {strides = array<i32>} : memref<200x128xf32, #tpu.memory_space<vmem>>, vector<16xf32>,
      %mul3A_310 = arith.constant 4 : i32
      %mul3A_311 = arith.muli %scan3A_275, %mul3A_310 : i32
      %add3A_312 = arith.constant 0 : i32
      %add3A_313 = arith.addi %mul3A_311, %add3A_312 : i32
      %swap3A_314 = arith.index_cast %add3A_313 : i32 to index
      %swap3A_315 = arith.constant 80 : index
      %swap3A_316 = tpu.vector_load %arg6[%swap3A_314, %swap3A_315] {strides = array<i32>} : memref<200x128xf32, #tpu.memory_space<vmem>>, vector<16xf32>,
      tpu.vector_store %arg6[%swap3A_314, %swap3A_315], %broadcast_in_dim3A_4 {strides = array<i32>} : memref<200x128xf32, #tpu.memory_space<vmem>>, vector<16xf32>,
      %mul3A_317 = arith.constant 4 : i32
      %mul3A_318 = arith.muli %scan3A_275, %mul3A_317 : i32
      %add3A_319 = arith.constant 0 : i32
      %add3A_320 = arith.addi %mul3A_318, %add3A_319 : i32
      %swap3A_321 = arith.index_cast %add3A_320 : i32 to index
      %swap3A_322 = arith.constant 96 : index
      %swap3A_323 = tpu.vector_load %arg6[%swap3A_321, %swap3A_322] {strides = array<i32>} : memref<200x128xf32, #tpu.memory_space<vmem>>, vector<16xf32>,
      tpu.vector_store %arg6[%swap3A_321, %swap3A_322], %broadcast_in_dim3A_4 {strides = array<i32>} : memref<200x128xf32, #tpu.memory_space<vmem>>, vector<16xf32>,
      %mul3A_324 = arith.constant 4 : i32
      %mul3A_325 = arith.muli %scan3A_275, %mul3A_324 : i32
      %add3A_326 = arith.constant 0 : i32
      %add3A_327 = arith.addi %mul3A_325, %add3A_326 : i32
      %swap3A_328 = arith.index_cast %add3A_327 : i32 to index
      %swap3A_329 = arith.constant 112 : index
      %swap3A_330 = tpu.vector_load %arg6[%swap3A_328, %swap3A_329] {strides = array<i32>} : memref<200x128xf32, #tpu.memory_space<vmem>>, vector<16xf32>,
      tpu.vector_store %arg6[%swap3A_328, %swap3A_329], %broadcast_in_dim3A_4 {strides = array<i32>} : memref<200x128xf32, #tpu.memory_space<vmem>>, vector<16xf32>,
      %mul3A_331 = arith.constant 4 : i32
      %mul3A_332 = arith.muli %scan3A_275, %mul3A_331 : i32
      %add3A_333 = arith.constant 1 : i32
      %add3A_334 = arith.addi %mul3A_332, %add3A_333 : i32
      %swap3A_335 = arith.index_cast %add3A_334 : i32 to index
      %swap3A_336 = arith.constant 0 : index
      %swap3A_337 = tpu.vector_load %arg6[%swap3A_335, %swap3A_336] {strides = array<i32>} : memref<200x128xf32, #tpu.memory_space<vmem>>, vector<16xf32>,
      tpu.vector_store %arg6[%swap3A_335, %swap3A_336], %broadcast_in_dim3A_4 {strides = array<i32>} : memref<200x128xf32, #tpu.memory_space<vmem>>, vector<16xf32>,
      %mul3A_338 = arith.constant 4 : i32
      %mul3A_339 = arith.muli %scan3A_275, %mul3A_338 : i32
      %add3A_340 = arith.constant 1 : i32
      %add3A_341 = arith.addi %mul3A_339, %add3A_340 : i32
      %swap3A_342 = arith.index_cast %add3A_341 : i32 to index
      %swap3A_343 = arith.constant 16 : index
      %swap3A_344 = tpu.vector_load %arg6[%swap3A_342, %swap3A_343] {strides = array<i32>} : memref<200x128xf32, #tpu.memory_space<vmem>>, vector<16xf32>,
      tpu.vector_store %arg6[%swap3A_342, %swap3A_343], %broadcast_in_dim3A_4 {strides = array<i32>} : memref<200x128xf32, #tpu.memory_space<vmem>>, vector<16xf32>,
      %mul3A_345 = arith.constant 4 : i32
      %mul3A_346 = arith.muli %scan3A_275, %mul3A_345 : i32
      %add3A_347 = arith.constant 1 : i32
      %add3A_348 = arith.addi %mul3A_346, %add3A_347 : i32
      %swap3A_349 = arith.index_cast %add3A_348 : i32 to index
      %swap3A_350 = arith.constant 32 : index
      %swap3A_351 = tpu.vector_load %arg6[%swap3A_349, %swap3A_350] {strides = array<i32>} : memref<200x128xf32, #tpu.memory_space<vmem>>, vector<16xf32>,
      tpu.vector_store %arg6[%swap3A_349, %swap3A_350], %broadcast_in_dim3A_4 {strides = array<i32>} : memref<200x128xf32, #tpu.memory_space<vmem>>, vector<16xf32>,
      %mul3A_352 = arith.constant 4 : i32
      %mul3A_353 = arith.muli %scan3A_275, %mul3A_352 : i32
      %add3A_354 = arith.constant 1 : i32
      %add3A_355 = arith.addi %mul3A_353, %add3A_354 : i32
      %swap3A_356 = arith.index_cast %add3A_355 : i32 to index
      %swap3A_357 = arith.constant 48 : index
      %swap3A_358 = tpu.vector_load %arg6[%swap3A_356, %swap3A_357] {strides = array<i32>} : memref<200x128xf32, #tpu.memory_space<vmem>>, vector<16xf32>,
      tpu.vector_store %arg6[%swap3A_356, %swap3A_357], %broadcast_in_dim3A_4 {strides = array<i32>} : memref<200x128xf32, #tpu.memory_space<vmem>>, vector<16xf32>,
      %mul3A_359 = arith.constant 4 : i32
      %mul3A_360 = arith.muli %scan3A_275, %mul3A_359 : i32
      %add3A_361 = arith.constant 1 : i32
      %add3A_362 = arith.addi %mul3A_360, %add3A_361 : i32
      %swap3A_363 = arith.index_cast %add3A_362 : i32 to index
      %swap3A_364 = arith.constant 64 : index
      %swap3A_365 = tpu.vector_load %arg6[%swap3A_363, %swap3A_364] {strides = array<i32>} : memref<200x128xf32, #tpu.memory_space<vmem>>, vector<16xf32>,
      tpu.vector_store %arg6[%swap3A_363, %swap3A_364], %broadcast_in_dim3A_4 {strides = array<i32>} : memref<200x128xf32, #tpu.memory_space<vmem>>, vector<16xf32>,
      %mul3A_366 = arith.constant 4 : i32
      %mul3A_367 = arith.muli %scan3A_275, %mul3A_366 : i32
      %add3A_368 = arith.constant 1 : i32
      %add3A_369 = arith.addi %mul3A_367, %add3A_368 : i32
      %swap3A_370 = arith.index_cast %add3A_369 : i32 to index
      %swap3A_371 = arith.constant 80 : index
      %swap3A_372 = tpu.vector_load %arg6[%swap3A_370, %swap3A_371] {strides = array<i32>} : memref<200x128xf32, #tpu.memory_space<vmem>>, vector<16xf32>,
      tpu.vector_store %arg6[%swap3A_370, %swap3A_371], %broadcast_in_dim3A_4 {strides = array<i32>} : memref<200x128xf32, #tpu.memory_space<vmem>>, vector<16xf32>,
      %mul3A_373 = arith.constant 4 : i32
      %mul3A_374 = arith.muli %scan3A_275, %mul3A_373 : i32
      %add3A_375 = arith.constant 1 : i32
      %add3A_376 = arith.addi %mul3A_374, %add3A_375 : i32
      %swap3A_377 = arith.index_cast %add3A_376 : i32 to index
      %swap3A_378 = arith.constant 96 : index
      %swap3A_379 = tpu.vector_load %arg6[%swap3A_377, %swap3A_378] {strides = array<i32>} : memref<200x128xf32, #tpu.memory_space<vmem>>, vector<16xf32>,
      tpu.vector_store %arg6[%swap3A_377, %swap3A_378], %broadcast_in_dim3A_4 {strides = array<i32>} : memref<200x128xf32, #tpu.memory_space<vmem>>, vector<16xf32>,
      %mul3A_380 = arith.constant 4 : i32
      %mul3A_381 = arith.muli %scan3A_275, %mul3A_380 : i32
      %add3A_382 = arith.constant 1 : i32
      %add3A_383 = arith.addi %mul3A_381, %add3A_382 : i32
      %swap3A_384 = arith.index_cast %add3A_383 : i32 to index
      %swap3A_385 = arith.constant 112 : index
      %swap3A_386 = tpu.vector_load %arg6[%swap3A_384, %swap3A_385] {strides = array<i32>} : memref<200x128xf32, #tpu.memory_space<vmem>>, vector<16xf32>,
      tpu.vector_store %arg6[%swap3A_384, %swap3A_385], %broadcast_in_dim3A_4 {strides = array<i32>} : memref<200x128xf32, #tpu.memory_space<vmem>>, vector<16xf32>,
      %mul3A_387 = arith.constant 4 : i32
      %mul3A_388 = arith.muli %scan3A_275, %mul3A_387 : i32
      %add3A_389 = arith.constant 2 : i32
      %add3A_390 = arith.addi %mul3A_388, %add3A_389 : i32
      %swap3A_391 = arith.index_cast %add3A_390 : i32 to index
      %swap3A_392 = arith.constant 0 : index
      %swap3A_393 = tpu.vector_load %arg6[%swap3A_391, %swap3A_392] {strides = array<i32>} : memref<200x128xf32, #tpu.memory_space<vmem>>, vector<16xf32>,
      tpu.vector_store %arg6[%swap3A_391, %swap3A_392], %broadcast_in_dim3A_4 {strides = array<i32>} : memref<200x128xf32, #tpu.memory_space<vmem>>, vector<16xf32>,
      %mul3A_394 = arith.constant 4 : i32
      %mul3A_395 = arith.muli %scan3A_275, %mul3A_394 : i32
      %add3A_396 = arith.constant 2 : i32
      %add3A_397 = arith.addi %mul3A_395, %add3A_396 : i32
      %swap3A_398 = arith.index_cast %add3A_397 : i32 to index
      %swap3A_399 = arith.constant 16 : index
      %swap3A_400 = tpu.vector_load %arg6[%swap3A_398, %swap3A_399] {strides = array<i32>} : memref<200x128xf32, #tpu.memory_space<vmem>>, vector<16xf32>,
      tpu.vector_store %arg6[%swap3A_398, %swap3A_399], %broadcast_in_dim3A_4 {strides = array<i32>} : memref<200x128xf32, #tpu.memory_space<vmem>>, vector<16xf32>,
      %mul3A_401 = arith.constant 4 : i32
      %mul3A_402 = arith.muli %scan3A_275, %mul3A_401 : i32
      %add3A_403 = arith.constant 2 : i32
      %add3A_404 = arith.addi %mul3A_402, %add3A_403 : i32
      %swap3A_405 = arith.index_cast %add3A_404 : i32 to index
      %swap3A_406 = arith.constant 32 : index
      %swap3A_407 = tpu.vector_load %arg6[%swap3A_405, %swap3A_406] {strides = array<i32>} : memref<200x128xf32, #tpu.memory_space<vmem>>, vector<16xf32>,
      tpu.vector_store %arg6[%swap3A_405, %swap3A_406], %broadcast_in_dim3A_4 {strides = array<i32>} : memref<200x128xf32, #tpu.memory_space<vmem>>, vector<16xf32>,
      %mul3A_408 = arith.constant 4 : i32
      %mul3A_409 = arith.muli %scan3A_275, %mul3A_408 : i32
      %add3A_410 = arith.constant 2 : i32
      %add3A_411 = arith.addi %mul3A_409, %add3A_410 : i32
      %swap3A_412 = arith.index_cast %add3A_411 : i32 to index
      %swap3A_413 = arith.constant 48 : index
      %swap3A_414 = tpu.vector_load %arg6[%swap3A_412, %swap3A_413] {strides = array<i32>} : memref<200x128xf32, #tpu.memory_space<vmem>>, vector<16xf32>,
      tpu.vector_store %arg6[%swap3A_412, %swap3A_413], %broadcast_in_dim3A_4 {strides = array<i32>} : memref<200x128xf32, #tpu.memory_space<vmem>>, vector<16xf32>,
      %mul3A_415 = arith.constant 4 : i32
      %mul3A_416 = arith.muli %scan3A_275, %mul3A_415 : i32
      %add3A_417 = arith.constant 2 : i32
      %add3A_418 = arith.addi %mul3A_416, %add3A_417 : i32
      %swap3A_419 = arith.index_cast %add3A_418 : i32 to index
      %swap3A_420 = arith.constant 64 : index
      %swap3A_421 = tpu.vector_load %arg6[%swap3A_419, %swap3A_420] {strides = array<i32>} : memref<200x128xf32, #tpu.memory_space<vmem>>, vector<16xf32>,
      tpu.vector_store %arg6[%swap3A_419, %swap3A_420], %broadcast_in_dim3A_4 {strides = array<i32>} : memref<200x128xf32, #tpu.memory_space<vmem>>, vector<16xf32>,
      %mul3A_422 = arith.constant 4 : i32
      %mul3A_423 = arith.muli %scan3A_275, %mul3A_422 : i32
      %add3A_424 = arith.constant 2 : i32
      %add3A_425 = arith.addi %mul3A_423, %add3A_424 : i32
      %swap3A_426 = arith.index_cast %add3A_425 : i32 to index
      %swap3A_427 = arith.constant 80 : index
      %swap3A_428 = tpu.vector_load %arg6[%swap3A_426, %swap3A_427] {strides = array<i32>} : memref<200x128xf32, #tpu.memory_space<vmem>>, vector<16xf32>,
      tpu.vector_store %arg6[%swap3A_426, %swap3A_427], %broadcast_in_dim3A_4 {strides = array<i32>} : memref<200x128xf32, #tpu.memory_space<vmem>>, vector<16xf32>,
      %mul3A_429 = arith.constant 4 : i32
      %mul3A_430 = arith.muli %scan3A_275, %mul3A_429 : i32
      %add3A_431 = arith.constant 2 : i32
      %add3A_432 = arith.addi %mul3A_430, %add3A_431 : i32
      %swap3A_433 = arith.index_cast %add3A_432 : i32 to index
      %swap3A_434 = arith.constant 96 : index
      %swap3A_435 = tpu.vector_load %arg6[%swap3A_433, %swap3A_434] {strides = array<i32>} : memref<200x128xf32, #tpu.memory_space<vmem>>, vector<16xf32>,
      tpu.vector_store %arg6[%swap3A_433, %swap3A_434], %broadcast_in_dim3A_4 {strides = array<i32>} : memref<200x128xf32, #tpu.memory_space<vmem>>, vector<16xf32>,
      %mul3A_436 = arith.constant 4 : i32
      %mul3A_437 = arith.muli %scan3A_275, %mul3A_436 : i32
      %add3A_438 = arith.constant 2 : i32
      %add3A_439 = arith.addi %mul3A_437, %add3A_438 : i32
      %swap3A_440 = arith.index_cast %add3A_439 : i32 to index
      %swap3A_441 = arith.constant 112 : index
      %swap3A_442 = tpu.vector_load %arg6[%swap3A_440, %swap3A_441] {strides = array<i32>} : memref<200x128xf32, #tpu.memory_space<vmem>>, vector<16xf32>,
      tpu.vector_store %arg6[%swap3A_440, %swap3A_441], %broadcast_in_dim3A_4 {strides = array<i32>} : memref<200x128xf32, #tpu.memory_space<vmem>>, vector<16xf32>,
      %mul3A_443 = arith.constant 4 : i32
      %mul3A_444 = arith.muli %scan3A_275, %mul3A_443 : i32
      %add3A_445 = arith.constant 3 : i32
      %add3A_446 = arith.addi %mul3A_444, %add3A_445 : i32
      %swap3A_447 = arith.index_cast %add3A_446 : i32 to index
      %swap3A_448 = arith.constant 0 : index
      %swap3A_449 = tpu.vector_load %arg6[%swap3A_447, %swap3A_448] {strides = array<i32>} : memref<200x128xf32, #tpu.memory_space<vmem>>, vector<16xf32>,
      tpu.vector_store %arg6[%swap3A_447, %swap3A_448], %broadcast_in_dim3A_4 {strides = array<i32>} : memref<200x128xf32, #tpu.memory_space<vmem>>, vector<16xf32>,
      %mul3A_450 = arith.constant 4 : i32
      %mul3A_451 = arith.muli %scan3A_275, %mul3A_450 : i32
      %add3A_452 = arith.constant 3 : i32
      %add3A_453 = arith.addi %mul3A_451, %add3A_452 : i32
      %swap3A_454 = arith.index_cast %add3A_453 : i32 to index
      %swap3A_455 = arith.constant 16 : index
      %swap3A_456 = tpu.vector_load %arg6[%swap3A_454, %swap3A_455] {strides = array<i32>} : memref<200x128xf32, #tpu.memory_space<vmem>>, vector<16xf32>,
      tpu.vector_store %arg6[%swap3A_454, %swap3A_455], %broadcast_in_dim3A_4 {strides = array<i32>} : memref<200x128xf32, #tpu.memory_space<vmem>>, vector<16xf32>,
      %mul3A_457 = arith.constant 4 : i32
      %mul3A_458 = arith.muli %scan3A_275, %mul3A_457 : i32
      %add3A_459 = arith.constant 3 : i32
      %add3A_460 = arith.addi %mul3A_458, %add3A_459 : i32
      %swap3A_461 = arith.index_cast %add3A_460 : i32 to index
      %swap3A_462 = arith.constant 32 : index
      %swap3A_463 = tpu.vector_load %arg6[%swap3A_461, %swap3A_462] {strides = array<i32>} : memref<200x128xf32, #tpu.memory_space<vmem>>, vector<16xf32>,
      tpu.vector_store %arg6[%swap3A_461, %swap3A_462], %broadcast_in_dim3A_4 {strides = array<i32>} : memref<200x128xf32, #tpu.memory_space<vmem>>, vector<16xf32>,
      %mul3A_464 = arith.constant 4 : i32
      %mul3A_465 = arith.muli %scan3A_275, %mul3A_464 : i32
      %add3A_466 = arith.constant 3 : i32
      %add3A_467 = arith.addi %mul3A_465, %add3A_466 : i32
      %swap3A_468 = arith.index_cast %add3A_467 : i32 to index
      %swap3A_469 = arith.constant 48 : index
      %swap3A_470 = tpu.vector_load %arg6[%swap3A_468, %swap3A_469] {strides = array<i32>} : memref<200x128xf32, #tpu.memory_space<vmem>>, vector<16xf32>,
      tpu.vector_store %arg6[%swap3A_468, %swap3A_469], %broadcast_in_dim3A_4 {strides = array<i32>} : memref<200x128xf32, #tpu.memory_space<vmem>>, vector<16xf32>,
      %mul3A_471 = arith.constant 4 : i32
      %mul3A_472 = arith.muli %scan3A_275, %mul3A_471 : i32
      %add3A_473 = arith.constant 3 : i32
      %add3A_474 = arith.addi %mul3A_472, %add3A_473 : i32
      %swap3A_475 = arith.index_cast %add3A_474 : i32 to index
      %swap3A_476 = arith.constant 64 : index
      %swap3A_477 = tpu.vector_load %arg6[%swap3A_475, %swap3A_476] {strides = array<i32>} : memref<200x128xf32, #tpu.memory_space<vmem>>, vector<16xf32>,
      tpu.vector_store %arg6[%swap3A_475, %swap3A_476], %broadcast_in_dim3A_4 {strides = array<i32>} : memref<200x128xf32, #tpu.memory_space<vmem>>, vector<16xf32>,
      %mul3A_478 = arith.constant 4 : i32
      %mul3A_479 = arith.muli %scan3A_275, %mul3A_478 : i32
      %add3A_480 = arith.constant 3 : i32
      %add3A_481 = arith.addi %mul3A_479, %add3A_480 : i32
      %swap3A_482 = arith.index_cast %add3A_481 : i32 to index
      %swap3A_483 = arith.constant 80 : index
      %swap3A_484 = tpu.vector_load %arg6[%swap3A_482, %swap3A_483] {strides = array<i32>} : memref<200x128xf32, #tpu.memory_space<vmem>>, vector<16xf32>,
      tpu.vector_store %arg6[%swap3A_482, %swap3A_483], %broadcast_in_dim3A_4 {strides = array<i32>} : memref<200x128xf32, #tpu.memory_space<vmem>>, vector<16xf32>,
      %mul3A_485 = arith.constant 4 : i32
      %mul3A_486 = arith.muli %scan3A_275, %mul3A_485 : i32
      %add3A_487 = arith.constant 3 : i32
      %add3A_488 = arith.addi %mul3A_486, %add3A_487 : i32
      %swap3A_489 = arith.index_cast %add3A_488 : i32 to index
      %swap3A_490 = arith.constant 96 : index
      %swap3A_491 = tpu.vector_load %arg6[%swap3A_489, %swap3A_490] {strides = array<i32>} : memref<200x128xf32, #tpu.memory_space<vmem>>, vector<16xf32>,
      tpu.vector_store %arg6[%swap3A_489, %swap3A_490], %broadcast_in_dim3A_4 {strides = array<i32>} : memref<200x128xf32, #tpu.memory_space<vmem>>, vector<16xf32>,
      %mul3A_492 = arith.constant 4 : i32
      %mul3A_493 = arith.muli %scan3A_275, %mul3A_492 : i32
      %add3A_494 = arith.constant 3 : i32
      %add3A_495 = arith.addi %mul3A_493, %add3A_494 : i32
      %swap3A_496 = arith.index_cast %add3A_495 : i32 to index
      %swap3A_497 = arith.constant 112 : index
      %swap3A_498 = tpu.vector_load %arg6[%swap3A_496, %swap3A_497] {strides = array<i32>} : memref<200x128xf32, #tpu.memory_space<vmem>>, vector<16xf32>,
      tpu.vector_store %arg6[%swap3A_496, %swap3A_497], %broadcast_in_dim3A_4 {strides = array<i32>} : memref<200x128xf32, #tpu.memory_space<vmem>>, vector<16xf32>,
    }
    %scan3A_133 = arith.constant 50 : i32
    %multiple_of3A_134 = arith.constant 200 : i32
    %multiple_of3A_135 = tpu.assume_multiple %multiple_of3A_134, 8 : i32
    %get3A_136 = arith.constant 0 : index
    %get3A_137 = tpu.vector_load %arg4[%get3A_136] {strides = array<i32>} : memref<512xi32, #tpu.memory_space<vmem>>, vector<16xi32>,
    %add3A_138 = arith.constant 0 : i32
    %add3A_139 = vector.broadcast %add3A_138 : i32 to vector<16xi32>
    %add3A_140 = arith.addi %add3A_139, %iota3A : vector<16xi32>
    %ge3A_141 = vector.broadcast %multiple_of3A_135 : i32 to vector<16xi32>
    %ge3A_142 = arith.cmpi sge, %get3A_137, %ge3A_141 : vector<16xi32>
    %add3A_143 = arith.constant 200 : i32
    %add3A_144 = arith.addi %multiple_of3A_135, %add3A_143 : i32
    %lt3A_145 = vector.broadcast %add3A_144 : i32 to vector<16xi32>
    %lt3A_146 = arith.cmpi slt, %get3A_137, %lt3A_145 : vector<16xi32>
    %and3A_147 = arith.andi %ge3A_142, %lt3A_146 : vector<16xi1>
    %sub3A_148 = vector.broadcast %multiple_of3A_135 : i32 to vector<16xi32>
    %sub3A_149 = arith.subi %get3A_137, %sub3A_148 : vector<16xi32>
    tpu.vector_store_idx %arg6[%sub3A_149, %add3A_140], %broadcast_in_dim3A_6 masked %and3A_147 : memref<200x128xf32, #tpu.memory_space<vmem>>[vector<16xi32>, vector<16xi32>], vector<16xf32>, vector<16xi1>
    %get3A_150 = arith.constant 16 : index
    %get3A_151 = tpu.vector_load %arg4[%get3A_150] {strides = array<i32>} : memref<512xi32, #tpu.memory_space<vmem>>, vector<16xi32>,
    %add3A_152 = arith.constant 16 : i32
    %add3A_153 = vector.broadcast %add3A_152 : i32 to vector<16xi32>
    %add3A_154 = arith.addi %add3A_153, %iota3A : vector<16xi32>
    %ge3A_155 = vector.broadcast %multiple_of3A_135 : i32 to vector<16xi32>
    %ge3A_156 = arith.cmpi sge, %get3A_151, %ge3A_155 : vector<16xi32>
    %add3A_157 = arith.constant 200 : i32
    %add3A_158 = arith.addi %multiple_of3A_135, %add3A_157 : i32
    %lt3A_159 = vector.broadcast %add3A_158 : i32 to vector<16xi32>
    %lt3A_160 = arith.cmpi slt, %get3A_151, %lt3A_159 : vector<16xi32>
    %and3A_161 = arith.andi %ge3A_156, %lt3A_160 : vector<16xi1>
    %sub3A_162 = vector.broadcast %multiple_of3A_135 : i32 to vector<16xi32>
    %sub3A_163 = arith.subi %get3A_151, %sub3A_162 : vector<16xi32>
    tpu.vector_store_idx %arg6[%sub3A_163, %add3A_154], %broadcast_in_dim3A_6 masked %and3A_161 : memref<200x128xf32, #tpu.memory_space<vmem>>[vector<16xi32>, vector<16xi32>], vector<16xf32>, vector<16xi1>
    %get3A_164 = arith.constant 32 : index
    %get3A_165 = tpu.vector_load %arg4[%get3A_164] {strides = array<i32>} : memref<512xi32, #tpu.memory_space<vmem>>, vector<16xi32>,
    %add3A_166 = arith.constant 32 : i32
    %add3A_167 = vector.broadcast %add3A_166 : i32 to vector<16xi32>
    %add3A_168 = arith.addi %add3A_167, %iota3A : vector<16xi32>
    %ge3A_169 = vector.broadcast %multiple_of3A_135 : i32 to vector<16xi32>
    %ge3A_170 = arith.cmpi sge, %get3A_165, %ge3A_169 : vector<16xi32>
    %add3A_171 = arith.constant 200 : i32
    %add3A_172 = arith.addi %multiple_of3A_135, %add3A_171 : i32
    %lt3A_173 = vector.broadcast %add3A_172 : i32 to vector<16xi32>
    %lt3A_174 = arith.cmpi slt, %get3A_165, %lt3A_173 : vector<16xi32>
    %and3A_175 = arith.andi %ge3A_170, %lt3A_174 : vector<16xi1>
    %sub3A_176 = vector.broadcast %multiple_of3A_135 : i32 to vector<16xi32>
    %sub3A_177 = arith.subi %get3A_165, %sub3A_176 : vector<16xi32>
    tpu.vector_store_idx %arg6[%sub3A_177, %add3A_168], %broadcast_in_dim3A_6 masked %and3A_175 : memref<200x128xf32, #tpu.memory_space<vmem>>[vector<16xi32>, vector<16xi32>], vector<16xf32>, vector<16xi1>
    %get3A_178 = arith.constant 48 : index
    %get3A_179 = tpu.vector_load %arg4[%get3A_178] {strides = array<i32>} : memref<512xi32, #tpu.memory_space<vmem>>, vector<16xi32>,
    %add3A_180 = arith.constant 48 : i32
    %add3A_181 = vector.broadcast %add3A_180 : i32 to vector<16xi32>
    %add3A_182 = arith.addi %add3A_181, %iota3A : vector<16xi32>
    %ge3A_183 = vector.broadcast %multiple_of3A_135 : i32 to vector<16xi32>
    %ge3A_184 = arith.cmpi sge, %get3A_179, %ge3A_183 : vector<16xi32>
    %add3A_185 = arith.constant 200 : i32
    %add3A_186 = arith.addi %multiple_of3A_135, %add3A_185 : i32
    %lt3A_187 = vector.broadcast %add3A_186 : i32 to vector<16xi32>
    %lt3A_188 = arith.cmpi slt, %get3A_179, %lt3A_187 : vector<16xi32>
    %and3A_189 = arith.andi %ge3A_184, %lt3A_188 : vector<16xi1>
    %sub3A_190 = vector.broadcast %multiple_of3A_135 : i32 to vector<16xi32>
    %sub3A_191 = arith.subi %get3A_179, %sub3A_190 : vector<16xi32>
    tpu.vector_store_idx %arg6[%sub3A_191, %add3A_182], %broadcast_in_dim3A_6 masked %and3A_189 : memref<200x128xf32, #tpu.memory_space<vmem>>[vector<16xi32>, vector<16xi32>], vector<16xf32>, vector<16xi1>
    %get3A_192 = arith.constant 64 : index
    %get3A_193 = tpu.vector_load %arg4[%get3A_192] {strides = array<i32>} : memref<512xi32, #tpu.memory_space<vmem>>, vector<16xi32>,
    %add3A_194 = arith.constant 64 : i32
    %add3A_195 = vector.broadcast %add3A_194 : i32 to vector<16xi32>
    %add3A_196 = arith.addi %add3A_195, %iota3A : vector<16xi32>
    %ge3A_197 = vector.broadcast %multiple_of3A_135 : i32 to vector<16xi32>
    %ge3A_198 = arith.cmpi sge, %get3A_193, %ge3A_197 : vector<16xi32>
    %add3A_199 = arith.constant 200 : i32
    %add3A_200 = arith.addi %multiple_of3A_135, %add3A_199 : i32
    %lt3A_201 = vector.broadcast %add3A_200 : i32 to vector<16xi32>
    %lt3A_202 = arith.cmpi slt, %get3A_193, %lt3A_201 : vector<16xi32>
    %and3A_203 = arith.andi %ge3A_198, %lt3A_202 : vector<16xi1>
    %sub3A_204 = vector.broadcast %multiple_of3A_135 : i32 to vector<16xi32>
    %sub3A_205 = arith.subi %get3A_193, %sub3A_204 : vector<16xi32>
    tpu.vector_store_idx %arg6[%sub3A_205, %add3A_196], %broadcast_in_dim3A_6 masked %and3A_203 : memref<200x128xf32, #tpu.memory_space<vmem>>[vector<16xi32>, vector<16xi32>], vector<16xf32>, vector<16xi1>
    %get3A_206 = arith.constant 80 : index
    %get3A_207 = tpu.vector_load %arg4[%get3A_206] {strides = array<i32>} : memref<512xi32, #tpu.memory_space<vmem>>, vector<16xi32>,
    %add3A_208 = arith.constant 80 : i32
    %add3A_209 = vector.broadcast %add3A_208 : i32 to vector<16xi32>
    %add3A_210 = arith.addi %add3A_209, %iota3A : vector<16xi32>
    %ge3A_211 = vector.broadcast %multiple_of3A_135 : i32 to vector<16xi32>
    %ge3A_212 = arith.cmpi sge, %get3A_207, %ge3A_211 : vector<16xi32>
    %add3A_213 = arith.constant 200 : i32
    %add3A_214 = arith.addi %multiple_of3A_135, %add3A_213 : i32
    %lt3A_215 = vector.broadcast %add3A_214 : i32 to vector<16xi32>
    %lt3A_216 = arith.cmpi slt, %get3A_207, %lt3A_215 : vector<16xi32>
    %and3A_217 = arith.andi %ge3A_212, %lt3A_216 : vector<16xi1>
    %sub3A_218 = vector.broadcast %multiple_of3A_135 : i32 to vector<16xi32>
    %sub3A_219 = arith.subi %get3A_207, %sub3A_218 : vector<16xi32>
    tpu.vector_store_idx %arg6[%sub3A_219, %add3A_210], %broadcast_in_dim3A_6 masked %and3A_217 : memref<200x128xf32, #tpu.memory_space<vmem>>[vector<16xi32>, vector<16xi32>], vector<16xf32>, vector<16xi1>
    %get3A_220 = arith.constant 96 : index
    %get3A_221 = tpu.vector_load %arg4[%get3A_220] {strides = array<i32>} : memref<512xi32, #tpu.memory_space<vmem>>, vector<16xi32>,
    %add3A_222 = arith.constant 96 : i32
    %add3A_223 = vector.broadcast %add3A_222 : i32 to vector<16xi32>
    %add3A_224 = arith.addi %add3A_223, %iota3A : vector<16xi32>
    %ge3A_225 = vector.broadcast %multiple_of3A_135 : i32 to vector<16xi32>
    %ge3A_226 = arith.cmpi sge, %get3A_221, %ge3A_225 : vector<16xi32>
    %add3A_227 = arith.constant 200 : i32
    %add3A_228 = arith.addi %multiple_of3A_135, %add3A_227 : i32
    %lt3A_229 = vector.broadcast %add3A_228 : i32 to vector<16xi32>
    %lt3A_230 = arith.cmpi slt, %get3A_221, %lt3A_229 : vector<16xi32>
    %and3A_231 = arith.andi %ge3A_226, %lt3A_230 : vector<16xi1>
    %sub3A_232 = vector.broadcast %multiple_of3A_135 : i32 to vector<16xi32>
    %sub3A_233 = arith.subi %get3A_221, %sub3A_232 : vector<16xi32>
    tpu.vector_store_idx %arg6[%sub3A_233, %add3A_224], %broadcast_in_dim3A_6 masked %and3A_231 : memref<200x128xf32, #tpu.memory_space<vmem>>[vector<16xi32>, vector<16xi32>], vector<16xf32>, vector<16xi1>
    %get3A_234 = arith.constant 112 : index
    %get3A_235 = tpu.vector_load %arg4[%get3A_234] {strides = array<i32>} : memref<512xi32, #tpu.memory_space<vmem>>, vector<16xi32>,
    %add3A_236 = arith.constant 112 : i32
    %add3A_237 = vector.broadcast %add3A_236 : i32 to vector<16xi32>
    %add3A_238 = arith.addi %add3A_237, %iota3A : vector<16xi32>
    %ge3A_239 = vector.broadcast %multiple_of3A_135 : i32 to vector<16xi32>
    %ge3A_240 = arith.cmpi sge, %get3A_235, %ge3A_239 : vector<16xi32>
    %add3A_241 = arith.constant 200 : i32
    %add3A_242 = arith.addi %multiple_of3A_135, %add3A_241 : i32
    %lt3A_243 = vector.broadcast %add3A_242 : i32 to vector<16xi32>
    %lt3A_244 = arith.cmpi slt, %get3A_235, %lt3A_243 : vector<16xi32>
    %and3A_245 = arith.andi %ge3A_240, %lt3A_244 : vector<16xi1>
    %sub3A_246 = vector.broadcast %multiple_of3A_135 : i32 to vector<16xi32>
    %sub3A_247 = arith.subi %get3A_235, %sub3A_246 : vector<16xi32>
    tpu.vector_store_idx %arg6[%sub3A_247, %add3A_238], %broadcast_in_dim3A_6 masked %and3A_245 : memref<200x128xf32, #tpu.memory_space<vmem>>[vector<16xi32>, vector<16xi32>], vector<16xf32>, vector<16xi1>
    %multiple_of3A_248 = arith.constant 200 : i32
    %multiple_of3A_249 = tpu.assume_multiple %multiple_of3A_248, 8 : i32
    %add3A_250 = arith.constant 0 : i32
    %add3A_251 = arith.addi %mul3A_2, %add3A_250 : i32
    %multiple_of3A_252 = tpu.assume_multiple %add3A_251, 128 : i32
    %dma_start3A_253 = tpu.memref_slice %arg3[%multiple_of3A_249, %multiple_of3A_252] : memref<1000x16384xf32, #tpu.memory_space<hbm>> -> memref<200x128xf32, #tpu.memory_space<hbm>>
    %dma_start3A_254 = tpu.memref_slice %arg3[%multiple_of3A_249, %multiple_of3A_252] : memref<1000x16384xf32, #tpu.memory_space<hbm>> -> memref<200x128xf32, #tpu.memory_space<hbm>>
    tpu.enqueue_dma source(%arg6 : memref<200x128xf32, #tpu.memory_space<vmem>>) target(%dma_start3A_254 : memref<200x128xf32, #tpu.memory_space<hbm>>) target_semaphore(%arg8 : memref<!tpu.dma_semaphore, #tpu.memory_space<semaphore_mem>>)
    %scan3A_255 = arith.constant 0 : i32
    %scan3A_256 = arith.constant 1 : i32
    %scan3A_257 = arith.constant 9 : i32
    %scan3A_258 = arith.addi %scan3A_256, %scan3A_257 : i32
    %scan3A_259 = arith.constant 1 : i32
    scf.for %scan3A_275 = %scan3A_256 to %scan3A_258 step %scan3A_259  : i32 {
      %mul3A_276 = arith.constant 2 : i32
      %mul3A_277 = arith.muli %mul3A_276, %scan3A_275 : i32
      %add3A_278 = arith.constant 0 : i32
      %add3A_279 = arith.addi %mul3A_277, %add3A_278 : i32
      %sub3A_280 = arith.constant 2 : i32
      %sub3A_281 = arith.subi %add3A_279, %sub3A_280 : i32
      %jit3A = arith.constant 5 : i32
      %div3A = arith.divsi %sub3A_281, %jit3A : i32
      %sign3A = arith.constant 0 : i32
      %sign3A_282 = arith.cmpi sgt, %sub3A_281, %sign3A : i32
      %sign3A_283 = arith.extui %sign3A_282 : i1 to i32
      %sign3A_284 = arith.constant 0 : i32
      %sign3A_285 = arith.cmpi slt, %sub3A_281, %sign3A_284 : i32
      %sign3A_286 = arith.extui %sign3A_285 : i1 to i32
      %sign3A_287 = arith.subi %sign3A_283, %sign3A_286 : i32
      %sign3A_288 = arith.constant 0 : i32
      %sign3A_289 = arith.cmpi sgt, %jit3A, %sign3A_288 : i32
      %sign3A_290 = arith.extui %sign3A_289 : i1 to i32
      %sign3A_291 = arith.constant 0 : i32
      %sign3A_292 = arith.cmpi slt, %jit3A, %sign3A_291 : i32
      %sign3A_293 = arith.extui %sign3A_292 : i1 to i32
      %sign3A_294 = arith.subi %sign3A_290, %sign3A_293 : i32
      %ne3A = arith.cmpi ne, %sign3A_287, %sign3A_294 : i32
      %rem3A = arith.remsi %sub3A_281, %jit3A : i32
      %ne3A_295 = arith.constant 0 : i32
      %ne3A_296 = arith.cmpi ne, %rem3A, %ne3A_295 : i32
      %and3A_297 = arith.andi %ne3A, %ne3A_296 : i1
      %sub3A_298 = arith.constant 1 : i32
      %sub3A_299 = arith.subi %div3A, %sub3A_298 : i32
      %select_n3A = arith.select %and3A_297, %sub3A_299, %div3A : i32
      %jit3A_300 = arith.constant 5 : i32
      %eq3A = arith.constant 0 : i32
      %eq3A_301 = arith.cmpi eq, %jit3A_300, %eq3A : i32
      %jit3A_302 = arith.constant 1 : i32
      %select_n3A_303 = arith.select %eq3A_301, %jit3A_302, %jit3A_300 : i32
      %rem3A_304 = arith.remsi %sub3A_281, %select_n3A_303 : i32
      %ne3A_305 = arith.constant 0 : i32
      %ne3A_306 = arith.cmpi ne, %rem3A_304, %ne3A_305 : i32
      %lt3A_307 = arith.constant 0 : i32
      %lt3A_308 = arith.cmpi slt, %rem3A_304, %lt3A_307 : i32
      %lt3A_309 = arith.constant 0 : i32
      %lt3A_310 = arith.cmpi slt, %select_n3A_303, %lt3A_309 : i32
      %ne3A_311 = arith.xori %lt3A_308, %lt3A_310 : i1
      %and3A_312 = arith.andi %ne3A_311, %ne3A_306 : i1
      %add3A_313 = arith.addi %rem3A_304, %select_n3A_303 : i32
      %select_n3A_314 = arith.select %and3A_312, %add3A_313, %rem3A_304 : i32
      %mul3A_315 = arith.constant 200 : i32
      %mul3A_316 = arith.muli %select_n3A_314, %mul3A_315 : i32
      %multiple_of3A_317 = tpu.assume_multiple %mul3A_316, 8 : i32
      %mul3A_318 = arith.constant 128 : i32
      %mul3A_319 = arith.muli %select_n3A, %mul3A_318 : i32
      %add3A_320 = arith.addi %mul3A_2, %mul3A_319 : i32
      %multiple_of3A_321 = tpu.assume_multiple %add3A_320, 128 : i32
      %dma_wait3A_322 = tpu.memref_slice %arg3[%multiple_of3A_317, %multiple_of3A_321] : memref<1000x16384xf32, #tpu.memory_space<hbm>> -> memref<200x128xf32, #tpu.memory_space<hbm>>
      %dma_wait3A_323 = tpu.memref_slice %arg3[%multiple_of3A_317, %multiple_of3A_321] : memref<1000x16384xf32, #tpu.memory_space<hbm>> -> memref<200x128xf32, #tpu.memory_space<hbm>>
      tpu.wait_dma2 semaphore(%arg7 : memref<!tpu.dma_semaphore, #tpu.memory_space<semaphore_mem>>) src(%arg5 : memref<200x128xf32, #tpu.memory_space<vmem>>) dst(%dma_wait3A_323 : memref<200x128xf32, #tpu.memory_space<hbm>>)
      %sub3A_324 = arith.constant 2 : i32
      %sub3A_325 = arith.subi %add3A_279, %sub3A_324 : i32
      %jit3A_326 = arith.constant 5 : i32
      %div3A_327 = arith.divsi %sub3A_325, %jit3A_326 : i32
      %sign3A_328 = arith.constant 0 : i32
      %sign3A_329 = arith.cmpi sgt, %sub3A_325, %sign3A_328 : i32
      %sign3A_330 = arith.extui %sign3A_329 : i1 to i32
      %sign3A_331 = arith.constant 0 : i32
      %sign3A_332 = arith.cmpi slt, %sub3A_325, %sign3A_331 : i32
      %sign3A_333 = arith.extui %sign3A_332 : i1 to i32
      %sign3A_334 = arith.subi %sign3A_330, %sign3A_333 : i32
      %sign3A_335 = arith.constant 0 : i32
      %sign3A_336 = arith.cmpi sgt, %jit3A_326, %sign3A_335 : i32
      %sign3A_337 = arith.extui %sign3A_336 : i1 to i32
      %sign3A_338 = arith.constant 0 : i32
      %sign3A_339 = arith.cmpi slt, %jit3A_326, %sign3A_338 : i32
      %sign3A_340 = arith.extui %sign3A_339 : i1 to i32
      %sign3A_341 = arith.subi %sign3A_337, %sign3A_340 : i32
      %ne3A_342 = arith.cmpi ne, %sign3A_334, %sign3A_341 : i32
      %rem3A_343 = arith.remsi %sub3A_325, %jit3A_326 : i32
      %ne3A_344 = arith.constant 0 : i32
      %ne3A_345 = arith.cmpi ne, %rem3A_343, %ne3A_344 : i32
      %and3A_346 = arith.andi %ne3A_342, %ne3A_345 : i1
      %sub3A_347 = arith.constant 1 : i32
      %sub3A_348 = arith.subi %div3A_327, %sub3A_347 : i32
      %select_n3A_349 = arith.select %and3A_346, %sub3A_348, %div3A_327 : i32
      %jit3A_350 = arith.constant 5 : i32
      %eq3A_351 = arith.constant 0 : i32
      %eq3A_352 = arith.cmpi eq, %jit3A_350, %eq3A_351 : i32
      %jit3A_353 = arith.constant 1 : i32
      %select_n3A_354 = arith.select %eq3A_352, %jit3A_353, %jit3A_350 : i32
      %rem3A_355 = arith.remsi %sub3A_325, %select_n3A_354 : i32
      %ne3A_356 = arith.constant 0 : i32
      %ne3A_357 = arith.cmpi ne, %rem3A_355, %ne3A_356 : i32
      %lt3A_358 = arith.constant 0 : i32
      %lt3A_359 = arith.cmpi slt, %rem3A_355, %lt3A_358 : i32
      %lt3A_360 = arith.constant 0 : i32
      %lt3A_361 = arith.cmpi slt, %select_n3A_354, %lt3A_360 : i32
      %ne3A_362 = arith.xori %lt3A_359, %lt3A_361 : i1
      %and3A_363 = arith.andi %ne3A_362, %ne3A_357 : i1
      %add3A_364 = arith.addi %rem3A_355, %select_n3A_354 : i32
      %select_n3A_365 = arith.select %and3A_363, %add3A_364, %rem3A_355 : i32
      %mul3A_366 = arith.constant 200 : i32
      %mul3A_367 = arith.muli %select_n3A_365, %mul3A_366 : i32
      %multiple_of3A_368 = tpu.assume_multiple %mul3A_367, 8 : i32
      %mul3A_369 = arith.constant 128 : i32
      %mul3A_370 = arith.muli %select_n3A_349, %mul3A_369 : i32
      %add3A_371 = arith.constant 0 : i32
      %add3A_372 = arith.addi %mul3A_370, %add3A_371 : i32
      %get3A_373 = arith.index_cast %add3A_372 : i32 to index
      %get3A_374 = tpu.vector_load %arg4[%get3A_373] {strides = array<i32>} : memref<512xi32, #tpu.memory_space<vmem>>, vector<16xi32>,
      %add3A_375 = arith.constant 0 : i32
      %add3A_376 = vector.broadcast %add3A_375 : i32 to vector<16xi32>
      %add3A_377 = arith.addi %add3A_376, %iota3A : vector<16xi32>
      %ge3A_378 = vector.broadcast %multiple_of3A_368 : i32 to vector<16xi32>
      %ge3A_379 = arith.cmpi sge, %get3A_374, %ge3A_378 : vector<16xi32>
      %add3A_380 = arith.constant 200 : i32
      %add3A_381 = arith.addi %multiple_of3A_368, %add3A_380 : i32
      %lt3A_382 = vector.broadcast %add3A_381 : i32 to vector<16xi32>
      %lt3A_383 = arith.cmpi slt, %get3A_374, %lt3A_382 : vector<16xi32>
      %and3A_384 = arith.andi %ge3A_379, %lt3A_383 : vector<16xi1>
      %sub3A_385 = vector.broadcast %multiple_of3A_368 : i32 to vector<16xi32>
      %sub3A_386 = arith.subi %get3A_374, %sub3A_385 : vector<16xi32>
      tpu.vector_store_idx %arg5[%sub3A_386, %add3A_377], %broadcast_in_dim3A_4 masked %and3A_384 : memref<200x128xf32, #tpu.memory_space<vmem>>[vector<16xi32>, vector<16xi32>], vector<16xf32>, vector<16xi1>
      %mul3A_387 = arith.constant 128 : i32
      %mul3A_388 = arith.muli %select_n3A_349, %mul3A_387 : i32
      %add3A_389 = arith.constant 16 : i32
      %add3A_390 = arith.addi %mul3A_388, %add3A_389 : i32
      %get3A_391 = arith.index_cast %add3A_390 : i32 to index
      %get3A_392 = tpu.vector_load %arg4[%get3A_391] {strides = array<i32>} : memref<512xi32, #tpu.memory_space<vmem>>, vector<16xi32>,
      %add3A_393 = arith.constant 16 : i32
      %add3A_394 = vector.broadcast %add3A_393 : i32 to vector<16xi32>
      %add3A_395 = arith.addi %add3A_394, %iota3A : vector<16xi32>
      %ge3A_396 = vector.broadcast %multiple_of3A_368 : i32 to vector<16xi32>
      %ge3A_397 = arith.cmpi sge, %get3A_392, %ge3A_396 : vector<16xi32>
      %add3A_398 = arith.constant 200 : i32
      %add3A_399 = arith.addi %multiple_of3A_368, %add3A_398 : i32
      %lt3A_400 = vector.broadcast %add3A_399 : i32 to vector<16xi32>
      %lt3A_401 = arith.cmpi slt, %get3A_392, %lt3A_400 : vector<16xi32>
      %and3A_402 = arith.andi %ge3A_397, %lt3A_401 : vector<16xi1>
      %sub3A_403 = vector.broadcast %multiple_of3A_368 : i32 to vector<16xi32>
      %sub3A_404 = arith.subi %get3A_392, %sub3A_403 : vector<16xi32>
      tpu.vector_store_idx %arg5[%sub3A_404, %add3A_395], %broadcast_in_dim3A_4 masked %and3A_402 : memref<200x128xf32, #tpu.memory_space<vmem>>[vector<16xi32>, vector<16xi32>], vector<16xf32>, vector<16xi1>
      %mul3A_405 = arith.constant 128 : i32
      %mul3A_406 = arith.muli %select_n3A_349, %mul3A_405 : i32
      %add3A_407 = arith.constant 32 : i32
      %add3A_408 = arith.addi %mul3A_406, %add3A_407 : i32
      %get3A_409 = arith.index_cast %add3A_408 : i32 to index
      %get3A_410 = tpu.vector_load %arg4[%get3A_409] {strides = array<i32>} : memref<512xi32, #tpu.memory_space<vmem>>, vector<16xi32>,
      %add3A_411 = arith.constant 32 : i32
      %add3A_412 = vector.broadcast %add3A_411 : i32 to vector<16xi32>
      %add3A_413 = arith.addi %add3A_412, %iota3A : vector<16xi32>
      %ge3A_414 = vector.broadcast %multiple_of3A_368 : i32 to vector<16xi32>
      %ge3A_415 = arith.cmpi sge, %get3A_410, %ge3A_414 : vector<16xi32>
      %add3A_416 = arith.constant 200 : i32
      %add3A_417 = arith.addi %multiple_of3A_368, %add3A_416 : i32
      %lt3A_418 = vector.broadcast %add3A_417 : i32 to vector<16xi32>
      %lt3A_419 = arith.cmpi slt, %get3A_410, %lt3A_418 : vector<16xi32>
      %and3A_420 = arith.andi %ge3A_415, %lt3A_419 : vector<16xi1>
      %sub3A_421 = vector.broadcast %multiple_of3A_368 : i32 to vector<16xi32>
      %sub3A_422 = arith.subi %get3A_410, %sub3A_421 : vector<16xi32>
      tpu.vector_store_idx %arg5[%sub3A_422, %add3A_413], %broadcast_in_dim3A_4 masked %and3A_420 : memref<200x128xf32, #tpu.memory_space<vmem>>[vector<16xi32>, vector<16xi32>], vector<16xf32>, vector<16xi1>
      %mul3A_423 = arith.constant 128 : i32
      %mul3A_424 = arith.muli %select_n3A_349, %mul3A_423 : i32
      %add3A_425 = arith.constant 48 : i32
      %add3A_426 = arith.addi %mul3A_424, %add3A_425 : i32
      %get3A_427 = arith.index_cast %add3A_426 : i32 to index
      %get3A_428 = tpu.vector_load %arg4[%get3A_427] {strides = array<i32>} : memref<512xi32, #tpu.memory_space<vmem>>, vector<16xi32>,
      %add3A_429 = arith.constant 48 : i32
      %add3A_430 = vector.broadcast %add3A_429 : i32 to vector<16xi32>
      %add3A_431 = arith.addi %add3A_430, %iota3A : vector<16xi32>
      %ge3A_432 = vector.broadcast %multiple_of3A_368 : i32 to vector<16xi32>
      %ge3A_433 = arith.cmpi sge, %get3A_428, %ge3A_432 : vector<16xi32>
      %add3A_434 = arith.constant 200 : i32
      %add3A_435 = arith.addi %multiple_of3A_368, %add3A_434 : i32
      %lt3A_436 = vector.broadcast %add3A_435 : i32 to vector<16xi32>
      %lt3A_437 = arith.cmpi slt, %get3A_428, %lt3A_436 : vector<16xi32>
      %and3A_438 = arith.andi %ge3A_433, %lt3A_437 : vector<16xi1>
      %sub3A_439 = vector.broadcast %multiple_of3A_368 : i32 to vector<16xi32>
      %sub3A_440 = arith.subi %get3A_428, %sub3A_439 : vector<16xi32>
      tpu.vector_store_idx %arg5[%sub3A_440, %add3A_431], %broadcast_in_dim3A_4 masked %and3A_438 : memref<200x128xf32, #tpu.memory_space<vmem>>[vector<16xi32>, vector<16xi32>], vector<16xf32>, vector<16xi1>
      %mul3A_441 = arith.constant 128 : i32
      %mul3A_442 = arith.muli %select_n3A_349, %mul3A_441 : i32
      %add3A_443 = arith.constant 64 : i32
      %add3A_444 = arith.addi %mul3A_442, %add3A_443 : i32
      %get3A_445 = arith.index_cast %add3A_444 : i32 to index
      %get3A_446 = tpu.vector_load %arg4[%get3A_445] {strides = array<i32>} : memref<512xi32, #tpu.memory_space<vmem>>, vector<16xi32>,
      %add3A_447 = arith.constant 64 : i32
      %add3A_448 = vector.broadcast %add3A_447 : i32 to vector<16xi32>
      %add3A_449 = arith.addi %add3A_448, %iota3A : vector<16xi32>
      %ge3A_450 = vector.broadcast %multiple_of3A_368 : i32 to vector<16xi32>
      %ge3A_451 = arith.cmpi sge, %get3A_446, %ge3A_450 : vector<16xi32>
      %add3A_452 = arith.constant 200 : i32
      %add3A_453 = arith.addi %multiple_of3A_368, %add3A_452 : i32
      %lt3A_454 = vector.broadcast %add3A_453 : i32 to vector<16xi32>
      %lt3A_455 = arith.cmpi slt, %get3A_446, %lt3A_454 : vector<16xi32>
      %and3A_456 = arith.andi %ge3A_451, %lt3A_455 : vector<16xi1>
      %sub3A_457 = vector.broadcast %multiple_of3A_368 : i32 to vector<16xi32>
      %sub3A_458 = arith.subi %get3A_446, %sub3A_457 : vector<16xi32>
      tpu.vector_store_idx %arg5[%sub3A_458, %add3A_449], %broadcast_in_dim3A_4 masked %and3A_456 : memref<200x128xf32, #tpu.memory_space<vmem>>[vector<16xi32>, vector<16xi32>], vector<16xf32>, vector<16xi1>
      %mul3A_459 = arith.constant 128 : i32
      %mul3A_460 = arith.muli %select_n3A_349, %mul3A_459 : i32
      %add3A_461 = arith.constant 80 : i32
      %add3A_462 = arith.addi %mul3A_460, %add3A_461 : i32
      %get3A_463 = arith.index_cast %add3A_462 : i32 to index
      %get3A_464 = tpu.vector_load %arg4[%get3A_463] {strides = array<i32>} : memref<512xi32, #tpu.memory_space<vmem>>, vector<16xi32>,
      %add3A_465 = arith.constant 80 : i32
      %add3A_466 = vector.broadcast %add3A_465 : i32 to vector<16xi32>
      %add3A_467 = arith.addi %add3A_466, %iota3A : vector<16xi32>
      %ge3A_468 = vector.broadcast %multiple_of3A_368 : i32 to vector<16xi32>
      %ge3A_469 = arith.cmpi sge, %get3A_464, %ge3A_468 : vector<16xi32>
      %add3A_470 = arith.constant 200 : i32
      %add3A_471 = arith.addi %multiple_of3A_368, %add3A_470 : i32
      %lt3A_472 = vector.broadcast %add3A_471 : i32 to vector<16xi32>
      %lt3A_473 = arith.cmpi slt, %get3A_464, %lt3A_472 : vector<16xi32>
      %and3A_474 = arith.andi %ge3A_469, %lt3A_473 : vector<16xi1>
      %sub3A_475 = vector.broadcast %multiple_of3A_368 : i32 to vector<16xi32>
      %sub3A_476 = arith.subi %get3A_464, %sub3A_475 : vector<16xi32>
      tpu.vector_store_idx %arg5[%sub3A_476, %add3A_467], %broadcast_in_dim3A_4 masked %and3A_474 : memref<200x128xf32, #tpu.memory_space<vmem>>[vector<16xi32>, vector<16xi32>], vector<16xf32>, vector<16xi1>
      %mul3A_477 = arith.constant 128 : i32
      %mul3A_478 = arith.muli %select_n3A_349, %mul3A_477 : i32
      %add3A_479 = arith.constant 96 : i32
      %add3A_480 = arith.addi %mul3A_478, %add3A_479 : i32
      %get3A_481 = arith.index_cast %add3A_480 : i32 to index
      %get3A_482 = tpu.vector_load %arg4[%get3A_481] {strides = array<i32>} : memref<512xi32, #tpu.memory_space<vmem>>, vector<16xi32>,
      %add3A_483 = arith.constant 96 : i32
      %add3A_484 = vector.broadcast %add3A_483 : i32 to vector<16xi32>
      %add3A_485 = arith.addi %add3A_484, %iota3A : vector<16xi32>
      %ge3A_486 = vector.broadcast %multiple_of3A_368 : i32 to vector<16xi32>
      %ge3A_487 = arith.cmpi sge, %get3A_482, %ge3A_486 : vector<16xi32>
      %add3A_488 = arith.constant 200 : i32
      %add3A_489 = arith.addi %multiple_of3A_368, %add3A_488 : i32
      %lt3A_490 = vector.broadcast %add3A_489 : i32 to vector<16xi32>
      %lt3A_491 = arith.cmpi slt, %get3A_482, %lt3A_490 : vector<16xi32>
      %and3A_492 = arith.andi %ge3A_487, %lt3A_491 : vector<16xi1>
      %sub3A_493 = vector.broadcast %multiple_of3A_368 : i32 to vector<16xi32>
      %sub3A_494 = arith.subi %get3A_482, %sub3A_493 : vector<16xi32>
      tpu.vector_store_idx %arg5[%sub3A_494, %add3A_485], %broadcast_in_dim3A_4 masked %and3A_492 : memref<200x128xf32, #tpu.memory_space<vmem>>[vector<16xi32>, vector<16xi32>], vector<16xf32>, vector<16xi1>
      %mul3A_495 = arith.constant 128 : i32
      %mul3A_496 = arith.muli %select_n3A_349, %mul3A_495 : i32
      %add3A_497 = arith.constant 112 : i32
      %add3A_498 = arith.addi %mul3A_496, %add3A_497 : i32
      %get3A_499 = arith.index_cast %add3A_498 : i32 to index
      %get3A_500 = tpu.vector_load %arg4[%get3A_499] {strides = array<i32>} : memref<512xi32, #tpu.memory_space<vmem>>, vector<16xi32>,
      %add3A_501 = arith.constant 112 : i32
      %add3A_502 = vector.broadcast %add3A_501 : i32 to vector<16xi32>
      %add3A_503 = arith.addi %add3A_502, %iota3A : vector<16xi32>
      %ge3A_504 = vector.broadcast %multiple_of3A_368 : i32 to vector<16xi32>
      %ge3A_505 = arith.cmpi sge, %get3A_500, %ge3A_504 : vector<16xi32>
      %add3A_506 = arith.constant 200 : i32
      %add3A_507 = arith.addi %multiple_of3A_368, %add3A_506 : i32
      %lt3A_508 = vector.broadcast %add3A_507 : i32 to vector<16xi32>
      %lt3A_509 = arith.cmpi slt, %get3A_500, %lt3A_508 : vector<16xi32>
      %and3A_510 = arith.andi %ge3A_505, %lt3A_509 : vector<16xi1>
      %sub3A_511 = vector.broadcast %multiple_of3A_368 : i32 to vector<16xi32>
      %sub3A_512 = arith.subi %get3A_500, %sub3A_511 : vector<16xi32>
      tpu.vector_store_idx %arg5[%sub3A_512, %add3A_503], %broadcast_in_dim3A_4 masked %and3A_510 : memref<200x128xf32, #tpu.memory_space<vmem>>[vector<16xi32>, vector<16xi32>], vector<16xf32>, vector<16xi1>
      %jit3A_513 = arith.constant 5 : i32
      %div3A_514 = arith.divsi %add3A_279, %jit3A_513 : i32
      %sign3A_515 = arith.constant 0 : i32
      %sign3A_516 = arith.cmpi sgt, %add3A_279, %sign3A_515 : i32
      %sign3A_517 = arith.extui %sign3A_516 : i1 to i32
      %sign3A_518 = arith.constant 0 : i32
      %sign3A_519 = arith.cmpi slt, %add3A_279, %sign3A_518 : i32
      %sign3A_520 = arith.extui %sign3A_519 : i1 to i32
      %sign3A_521 = arith.subi %sign3A_517, %sign3A_520 : i32
      %sign3A_522 = arith.constant 0 : i32
      %sign3A_523 = arith.cmpi sgt, %jit3A_513, %sign3A_522 : i32
      %sign3A_524 = arith.extui %sign3A_523 : i1 to i32
      %sign3A_525 = arith.constant 0 : i32
      %sign3A_526 = arith.cmpi slt, %jit3A_513, %sign3A_525 : i32
      %sign3A_527 = arith.extui %sign3A_526 : i1 to i32
      %sign3A_528 = arith.subi %sign3A_524, %sign3A_527 : i32
      %ne3A_529 = arith.cmpi ne, %sign3A_521, %sign3A_528 : i32
      %rem3A_530 = arith.remsi %add3A_279, %jit3A_513 : i32
      %ne3A_531 = arith.constant 0 : i32
      %ne3A_532 = arith.cmpi ne, %rem3A_530, %ne3A_531 : i32
      %and3A_533 = arith.andi %ne3A_529, %ne3A_532 : i1
      %sub3A_534 = arith.constant 1 : i32
      %sub3A_535 = arith.subi %div3A_514, %sub3A_534 : i32
      %select_n3A_536 = arith.select %and3A_533, %sub3A_535, %div3A_514 : i32
      %jit3A_537 = arith.constant 5 : i32
      %eq3A_538 = arith.constant 0 : i32
      %eq3A_539 = arith.cmpi eq, %jit3A_537, %eq3A_538 : i32
      %jit3A_540 = arith.constant 1 : i32
      %select_n3A_541 = arith.select %eq3A_539, %jit3A_540, %jit3A_537 : i32
      %rem3A_542 = arith.remsi %add3A_279, %select_n3A_541 : i32
      %ne3A_543 = arith.constant 0 : i32
      %ne3A_544 = arith.cmpi ne, %rem3A_542, %ne3A_543 : i32
      %lt3A_545 = arith.constant 0 : i32
      %lt3A_546 = arith.cmpi slt, %rem3A_542, %lt3A_545 : i32
      %lt3A_547 = arith.constant 0 : i32
      %lt3A_548 = arith.cmpi slt, %select_n3A_541, %lt3A_547 : i32
      %ne3A_549 = arith.xori %lt3A_546, %lt3A_548 : i1
      %and3A_550 = arith.andi %ne3A_549, %ne3A_544 : i1
      %add3A_551 = arith.addi %rem3A_542, %select_n3A_541 : i32
      %select_n3A_552 = arith.select %and3A_550, %add3A_551, %rem3A_542 : i32
      %mul3A_553 = arith.constant 200 : i32
      %mul3A_554 = arith.muli %select_n3A_552, %mul3A_553 : i32
      %multiple_of3A_555 = tpu.assume_multiple %mul3A_554, 8 : i32
      %mul3A_556 = arith.constant 128 : i32
      %mul3A_557 = arith.muli %select_n3A_536, %mul3A_556 : i32
      %add3A_558 = arith.constant 0 : i32
      %add3A_559 = arith.addi %mul3A_557, %add3A_558 : i32
      %get3A_560 = arith.index_cast %add3A_559 : i32 to index
      %get3A_561 = tpu.vector_load %arg4[%get3A_560] {strides = array<i32>} : memref<512xi32, #tpu.memory_space<vmem>>, vector<16xi32>,
      %add3A_562 = arith.constant 0 : i32
      %add3A_563 = vector.broadcast %add3A_562 : i32 to vector<16xi32>
      %add3A_564 = arith.addi %add3A_563, %iota3A : vector<16xi32>
      %ge3A_565 = vector.broadcast %multiple_of3A_555 : i32 to vector<16xi32>
      %ge3A_566 = arith.cmpi sge, %get3A_561, %ge3A_565 : vector<16xi32>
      %add3A_567 = arith.constant 200 : i32
      %add3A_568 = arith.addi %multiple_of3A_555, %add3A_567 : i32
      %lt3A_569 = vector.broadcast %add3A_568 : i32 to vector<16xi32>
      %lt3A_570 = arith.cmpi slt, %get3A_561, %lt3A_569 : vector<16xi32>
      %and3A_571 = arith.andi %ge3A_566, %lt3A_570 : vector<16xi1>
      %sub3A_572 = vector.broadcast %multiple_of3A_555 : i32 to vector<16xi32>
      %sub3A_573 = arith.subi %get3A_561, %sub3A_572 : vector<16xi32>
      tpu.vector_store_idx %arg5[%sub3A_573, %add3A_564], %broadcast_in_dim3A_6 masked %and3A_571 : memref<200x128xf32, #tpu.memory_space<vmem>>[vector<16xi32>, vector<16xi32>], vector<16xf32>, vector<16xi1>
      %mul3A_574 = arith.constant 128 : i32
      %mul3A_575 = arith.muli %select_n3A_536, %mul3A_574 : i32
      %add3A_576 = arith.constant 16 : i32
      %add3A_577 = arith.addi %mul3A_575, %add3A_576 : i32
      %get3A_578 = arith.index_cast %add3A_577 : i32 to index
      %get3A_579 = tpu.vector_load %arg4[%get3A_578] {strides = array<i32>} : memref<512xi32, #tpu.memory_space<vmem>>, vector<16xi32>,
      %add3A_580 = arith.constant 16 : i32
      %add3A_581 = vector.broadcast %add3A_580 : i32 to vector<16xi32>
      %add3A_582 = arith.addi %add3A_581, %iota3A : vector<16xi32>
      %ge3A_583 = vector.broadcast %multiple_of3A_555 : i32 to vector<16xi32>
      %ge3A_584 = arith.cmpi sge, %get3A_579, %ge3A_583 : vector<16xi32>
      %add3A_585 = arith.constant 200 : i32
      %add3A_586 = arith.addi %multiple_of3A_555, %add3A_585 : i32
      %lt3A_587 = vector.broadcast %add3A_586 : i32 to vector<16xi32>
      %lt3A_588 = arith.cmpi slt, %get3A_579, %lt3A_587 : vector<16xi32>
      %and3A_589 = arith.andi %ge3A_584, %lt3A_588 : vector<16xi1>
      %sub3A_590 = vector.broadcast %multiple_of3A_555 : i32 to vector<16xi32>
      %sub3A_591 = arith.subi %get3A_579, %sub3A_590 : vector<16xi32>
      tpu.vector_store_idx %arg5[%sub3A_591, %add3A_582], %broadcast_in_dim3A_6 masked %and3A_589 : memref<200x128xf32, #tpu.memory_space<vmem>>[vector<16xi32>, vector<16xi32>], vector<16xf32>, vector<16xi1>
      %mul3A_592 = arith.constant 128 : i32
      %mul3A_593 = arith.muli %select_n3A_536, %mul3A_592 : i32
      %add3A_594 = arith.constant 32 : i32
      %add3A_595 = arith.addi %mul3A_593, %add3A_594 : i32
      %get3A_596 = arith.index_cast %add3A_595 : i32 to index
      %get3A_597 = tpu.vector_load %arg4[%get3A_596] {strides = array<i32>} : memref<512xi32, #tpu.memory_space<vmem>>, vector<16xi32>,
      %add3A_598 = arith.constant 32 : i32
      %add3A_599 = vector.broadcast %add3A_598 : i32 to vector<16xi32>
      %add3A_600 = arith.addi %add3A_599, %iota3A : vector<16xi32>
      %ge3A_601 = vector.broadcast %multiple_of3A_555 : i32 to vector<16xi32>
      %ge3A_602 = arith.cmpi sge, %get3A_597, %ge3A_601 : vector<16xi32>
      %add3A_603 = arith.constant 200 : i32
      %add3A_604 = arith.addi %multiple_of3A_555, %add3A_603 : i32
      %lt3A_605 = vector.broadcast %add3A_604 : i32 to vector<16xi32>
      %lt3A_606 = arith.cmpi slt, %get3A_597, %lt3A_605 : vector<16xi32>
      %and3A_607 = arith.andi %ge3A_602, %lt3A_606 : vector<16xi1>
      %sub3A_608 = vector.broadcast %multiple_of3A_555 : i32 to vector<16xi32>
      %sub3A_609 = arith.subi %get3A_597, %sub3A_608 : vector<16xi32>
      tpu.vector_store_idx %arg5[%sub3A_609, %add3A_600], %broadcast_in_dim3A_6 masked %and3A_607 : memref<200x128xf32, #tpu.memory_space<vmem>>[vector<16xi32>, vector<16xi32>], vector<16xf32>, vector<16xi1>
      %mul3A_610 = arith.constant 128 : i32
      %mul3A_611 = arith.muli %select_n3A_536, %mul3A_610 : i32
      %add3A_612 = arith.constant 48 : i32
      %add3A_613 = arith.addi %mul3A_611, %add3A_612 : i32
      %get3A_614 = arith.index_cast %add3A_613 : i32 to index
      %get3A_615 = tpu.vector_load %arg4[%get3A_614] {strides = array<i32>} : memref<512xi32, #tpu.memory_space<vmem>>, vector<16xi32>,
      %add3A_616 = arith.constant 48 : i32
      %add3A_617 = vector.broadcast %add3A_616 : i32 to vector<16xi32>
      %add3A_618 = arith.addi %add3A_617, %iota3A : vector<16xi32>
      %ge3A_619 = vector.broadcast %multiple_of3A_555 : i32 to vector<16xi32>
      %ge3A_620 = arith.cmpi sge, %get3A_615, %ge3A_619 : vector<16xi32>
      %add3A_621 = arith.constant 200 : i32
      %add3A_622 = arith.addi %multiple_of3A_555, %add3A_621 : i32
      %lt3A_623 = vector.broadcast %add3A_622 : i32 to vector<16xi32>
      %lt3A_624 = arith.cmpi slt, %get3A_615, %lt3A_623 : vector<16xi32>
      %and3A_625 = arith.andi %ge3A_620, %lt3A_624 : vector<16xi1>
      %sub3A_626 = vector.broadcast %multiple_of3A_555 : i32 to vector<16xi32>
      %sub3A_627 = arith.subi %get3A_615, %sub3A_626 : vector<16xi32>
      tpu.vector_store_idx %arg5[%sub3A_627, %add3A_618], %broadcast_in_dim3A_6 masked %and3A_625 : memref<200x128xf32, #tpu.memory_space<vmem>>[vector<16xi32>, vector<16xi32>], vector<16xf32>, vector<16xi1>
      %mul3A_628 = arith.constant 128 : i32
      %mul3A_629 = arith.muli %select_n3A_536, %mul3A_628 : i32
      %add3A_630 = arith.constant 64 : i32
      %add3A_631 = arith.addi %mul3A_629, %add3A_630 : i32
      %get3A_632 = arith.index_cast %add3A_631 : i32 to index
      %get3A_633 = tpu.vector_load %arg4[%get3A_632] {strides = array<i32>} : memref<512xi32, #tpu.memory_space<vmem>>, vector<16xi32>,
      %add3A_634 = arith.constant 64 : i32
      %add3A_635 = vector.broadcast %add3A_634 : i32 to vector<16xi32>
      %add3A_636 = arith.addi %add3A_635, %iota3A : vector<16xi32>
      %ge3A_637 = vector.broadcast %multiple_of3A_555 : i32 to vector<16xi32>
      %ge3A_638 = arith.cmpi sge, %get3A_633, %ge3A_637 : vector<16xi32>
      %add3A_639 = arith.constant 200 : i32
      %add3A_640 = arith.addi %multiple_of3A_555, %add3A_639 : i32
      %lt3A_641 = vector.broadcast %add3A_640 : i32 to vector<16xi32>
      %lt3A_642 = arith.cmpi slt, %get3A_633, %lt3A_641 : vector<16xi32>
      %and3A_643 = arith.andi %ge3A_638, %lt3A_642 : vector<16xi1>
      %sub3A_644 = vector.broadcast %multiple_of3A_555 : i32 to vector<16xi32>
      %sub3A_645 = arith.subi %get3A_633, %sub3A_644 : vector<16xi32>
      tpu.vector_store_idx %arg5[%sub3A_645, %add3A_636], %broadcast_in_dim3A_6 masked %and3A_643 : memref<200x128xf32, #tpu.memory_space<vmem>>[vector<16xi32>, vector<16xi32>], vector<16xf32>, vector<16xi1>
      %mul3A_646 = arith.constant 128 : i32
      %mul3A_647 = arith.muli %select_n3A_536, %mul3A_646 : i32
      %add3A_648 = arith.constant 80 : i32
      %add3A_649 = arith.addi %mul3A_647, %add3A_648 : i32
      %get3A_650 = arith.index_cast %add3A_649 : i32 to index
      %get3A_651 = tpu.vector_load %arg4[%get3A_650] {strides = array<i32>} : memref<512xi32, #tpu.memory_space<vmem>>, vector<16xi32>,
      %add3A_652 = arith.constant 80 : i32
      %add3A_653 = vector.broadcast %add3A_652 : i32 to vector<16xi32>
      %add3A_654 = arith.addi %add3A_653, %iota3A : vector<16xi32>
      %ge3A_655 = vector.broadcast %multiple_of3A_555 : i32 to vector<16xi32>
      %ge3A_656 = arith.cmpi sge, %get3A_651, %ge3A_655 : vector<16xi32>
      %add3A_657 = arith.constant 200 : i32
      %add3A_658 = arith.addi %multiple_of3A_555, %add3A_657 : i32
      %lt3A_659 = vector.broadcast %add3A_658 : i32 to vector<16xi32>
      %lt3A_660 = arith.cmpi slt, %get3A_651, %lt3A_659 : vector<16xi32>
      %and3A_661 = arith.andi %ge3A_656, %lt3A_660 : vector<16xi1>
      %sub3A_662 = vector.broadcast %multiple_of3A_555 : i32 to vector<16xi32>
      %sub3A_663 = arith.subi %get3A_651, %sub3A_662 : vector<16xi32>
      tpu.vector_store_idx %arg5[%sub3A_663, %add3A_654], %broadcast_in_dim3A_6 masked %and3A_661 : memref<200x128xf32, #tpu.memory_space<vmem>>[vector<16xi32>, vector<16xi32>], vector<16xf32>, vector<16xi1>
      %mul3A_664 = arith.constant 128 : i32
      %mul3A_665 = arith.muli %select_n3A_536, %mul3A_664 : i32
      %add3A_666 = arith.constant 96 : i32
      %add3A_667 = arith.addi %mul3A_665, %add3A_666 : i32
      %get3A_668 = arith.index_cast %add3A_667 : i32 to index
      %get3A_669 = tpu.vector_load %arg4[%get3A_668] {strides = array<i32>} : memref<512xi32, #tpu.memory_space<vmem>>, vector<16xi32>,
      %add3A_670 = arith.constant 96 : i32
      %add3A_671 = vector.broadcast %add3A_670 : i32 to vector<16xi32>
      %add3A_672 = arith.addi %add3A_671, %iota3A : vector<16xi32>
      %ge3A_673 = vector.broadcast %multiple_of3A_555 : i32 to vector<16xi32>
      %ge3A_674 = arith.cmpi sge, %get3A_669, %ge3A_673 : vector<16xi32>
      %add3A_675 = arith.constant 200 : i32
      %add3A_676 = arith.addi %multiple_of3A_555, %add3A_675 : i32
      %lt3A_677 = vector.broadcast %add3A_676 : i32 to vector<16xi32>
      %lt3A_678 = arith.cmpi slt, %get3A_669, %lt3A_677 : vector<16xi32>
      %and3A_679 = arith.andi %ge3A_674, %lt3A_678 : vector<16xi1>
      %sub3A_680 = vector.broadcast %multiple_of3A_555 : i32 to vector<16xi32>
      %sub3A_681 = arith.subi %get3A_669, %sub3A_680 : vector<16xi32>
      tpu.vector_store_idx %arg5[%sub3A_681, %add3A_672], %broadcast_in_dim3A_6 masked %and3A_679 : memref<200x128xf32, #tpu.memory_space<vmem>>[vector<16xi32>, vector<16xi32>], vector<16xf32>, vector<16xi1>
      %mul3A_682 = arith.constant 128 : i32
      %mul3A_683 = arith.muli %select_n3A_536, %mul3A_682 : i32
      %add3A_684 = arith.constant 112 : i32
      %add3A_685 = arith.addi %mul3A_683, %add3A_684 : i32
      %get3A_686 = arith.index_cast %add3A_685 : i32 to index
      %get3A_687 = tpu.vector_load %arg4[%get3A_686] {strides = array<i32>} : memref<512xi32, #tpu.memory_space<vmem>>, vector<16xi32>,
      %add3A_688 = arith.constant 112 : i32
      %add3A_689 = vector.broadcast %add3A_688 : i32 to vector<16xi32>
      %add3A_690 = arith.addi %add3A_689, %iota3A : vector<16xi32>
      %ge3A_691 = vector.broadcast %multiple_of3A_555 : i32 to vector<16xi32>
      %ge3A_692 = arith.cmpi sge, %get3A_687, %ge3A_691 : vector<16xi32>
      %add3A_693 = arith.constant 200 : i32
      %add3A_694 = arith.addi %multiple_of3A_555, %add3A_693 : i32
      %lt3A_695 = vector.broadcast %add3A_694 : i32 to vector<16xi32>
      %lt3A_696 = arith.cmpi slt, %get3A_687, %lt3A_695 : vector<16xi32>
      %and3A_697 = arith.andi %ge3A_692, %lt3A_696 : vector<16xi1>
      %sub3A_698 = vector.broadcast %multiple_of3A_555 : i32 to vector<16xi32>
      %sub3A_699 = arith.subi %get3A_687, %sub3A_698 : vector<16xi32>
      tpu.vector_store_idx %arg5[%sub3A_699, %add3A_690], %broadcast_in_dim3A_6 masked %and3A_697 : memref<200x128xf32, #tpu.memory_space<vmem>>[vector<16xi32>, vector<16xi32>], vector<16xf32>, vector<16xi1>
      %jit3A_700 = arith.constant 5 : i32
      %div3A_701 = arith.divsi %add3A_279, %jit3A_700 : i32
      %sign3A_702 = arith.constant 0 : i32
      %sign3A_703 = arith.cmpi sgt, %add3A_279, %sign3A_702 : i32
      %sign3A_704 = arith.extui %sign3A_703 : i1 to i32
      %sign3A_705 = arith.constant 0 : i32
      %sign3A_706 = arith.cmpi slt, %add3A_279, %sign3A_705 : i32
      %sign3A_707 = arith.extui %sign3A_706 : i1 to i32
      %sign3A_708 = arith.subi %sign3A_704, %sign3A_707 : i32
      %sign3A_709 = arith.constant 0 : i32
      %sign3A_710 = arith.cmpi sgt, %jit3A_700, %sign3A_709 : i32
      %sign3A_711 = arith.extui %sign3A_710 : i1 to i32
      %sign3A_712 = arith.constant 0 : i32
      %sign3A_713 = arith.cmpi slt, %jit3A_700, %sign3A_712 : i32
      %sign3A_714 = arith.extui %sign3A_713 : i1 to i32
      %sign3A_715 = arith.subi %sign3A_711, %sign3A_714 : i32
      %ne3A_716 = arith.cmpi ne, %sign3A_708, %sign3A_715 : i32
      %rem3A_717 = arith.remsi %add3A_279, %jit3A_700 : i32
      %ne3A_718 = arith.constant 0 : i32
      %ne3A_719 = arith.cmpi ne, %rem3A_717, %ne3A_718 : i32
      %and3A_720 = arith.andi %ne3A_716, %ne3A_719 : i1
      %sub3A_721 = arith.constant 1 : i32
      %sub3A_722 = arith.subi %div3A_701, %sub3A_721 : i32
      %select_n3A_723 = arith.select %and3A_720, %sub3A_722, %div3A_701 : i32
      %jit3A_724 = arith.constant 5 : i32
      %eq3A_725 = arith.constant 0 : i32
      %eq3A_726 = arith.cmpi eq, %jit3A_724, %eq3A_725 : i32
      %jit3A_727 = arith.constant 1 : i32
      %select_n3A_728 = arith.select %eq3A_726, %jit3A_727, %jit3A_724 : i32
      %rem3A_729 = arith.remsi %add3A_279, %select_n3A_728 : i32
      %ne3A_730 = arith.constant 0 : i32
      %ne3A_731 = arith.cmpi ne, %rem3A_729, %ne3A_730 : i32
      %lt3A_732 = arith.constant 0 : i32
      %lt3A_733 = arith.cmpi slt, %rem3A_729, %lt3A_732 : i32
      %lt3A_734 = arith.constant 0 : i32
      %lt3A_735 = arith.cmpi slt, %select_n3A_728, %lt3A_734 : i32
      %ne3A_736 = arith.xori %lt3A_733, %lt3A_735 : i1
      %and3A_737 = arith.andi %ne3A_736, %ne3A_731 : i1
      %add3A_738 = arith.addi %rem3A_729, %select_n3A_728 : i32
      %select_n3A_739 = arith.select %and3A_737, %add3A_738, %rem3A_729 : i32
      %mul3A_740 = arith.constant 200 : i32
      %mul3A_741 = arith.muli %select_n3A_739, %mul3A_740 : i32
      %multiple_of3A_742 = tpu.assume_multiple %mul3A_741, 8 : i32
      %mul3A_743 = arith.constant 128 : i32
      %mul3A_744 = arith.muli %select_n3A_723, %mul3A_743 : i32
      %add3A_745 = arith.addi %mul3A_2, %mul3A_744 : i32
      %multiple_of3A_746 = tpu.assume_multiple %add3A_745, 128 : i32
      %dma_start3A_747 = tpu.memref_slice %arg3[%multiple_of3A_742, %multiple_of3A_746] : memref<1000x16384xf32, #tpu.memory_space<hbm>> -> memref<200x128xf32, #tpu.memory_space<hbm>>
      %dma_start3A_748 = tpu.memref_slice %arg3[%multiple_of3A_742, %multiple_of3A_746] : memref<1000x16384xf32, #tpu.memory_space<hbm>> -> memref<200x128xf32, #tpu.memory_space<hbm>>
      tpu.enqueue_dma source(%arg5 : memref<200x128xf32, #tpu.memory_space<vmem>>) target(%dma_start3A_748 : memref<200x128xf32, #tpu.memory_space<hbm>>) target_semaphore(%arg7 : memref<!tpu.dma_semaphore, #tpu.memory_space<semaphore_mem>>)
      %mul3A_749 = arith.constant 2 : i32
      %mul3A_750 = arith.muli %mul3A_749, %scan3A_275 : i32
      %add3A_751 = arith.constant 1 : i32
      %add3A_752 = arith.addi %mul3A_750, %add3A_751 : i32
      %sub3A_753 = arith.constant 2 : i32
      %sub3A_754 = arith.subi %add3A_752, %sub3A_753 : i32
      %jit3A_755 = arith.constant 5 : i32
      %div3A_756 = arith.divsi %sub3A_754, %jit3A_755 : i32
      %sign3A_757 = arith.constant 0 : i32
      %sign3A_758 = arith.cmpi sgt, %sub3A_754, %sign3A_757 : i32
      %sign3A_759 = arith.extui %sign3A_758 : i1 to i32
      %sign3A_760 = arith.constant 0 : i32
      %sign3A_761 = arith.cmpi slt, %sub3A_754, %sign3A_760 : i32
      %sign3A_762 = arith.extui %sign3A_761 : i1 to i32
      %sign3A_763 = arith.subi %sign3A_759, %sign3A_762 : i32
      %sign3A_764 = arith.constant 0 : i32
      %sign3A_765 = arith.cmpi sgt, %jit3A_755, %sign3A_764 : i32
      %sign3A_766 = arith.extui %sign3A_765 : i1 to i32
      %sign3A_767 = arith.constant 0 : i32
      %sign3A_768 = arith.cmpi slt, %jit3A_755, %sign3A_767 : i32
      %sign3A_769 = arith.extui %sign3A_768 : i1 to i32
      %sign3A_770 = arith.subi %sign3A_766, %sign3A_769 : i32
      %ne3A_771 = arith.cmpi ne, %sign3A_763, %sign3A_770 : i32
      %rem3A_772 = arith.remsi %sub3A_754, %jit3A_755 : i32
      %ne3A_773 = arith.constant 0 : i32
      %ne3A_774 = arith.cmpi ne, %rem3A_772, %ne3A_773 : i32
      %and3A_775 = arith.andi %ne3A_771, %ne3A_774 : i1
      %sub3A_776 = arith.constant 1 : i32
      %sub3A_777 = arith.subi %div3A_756, %sub3A_776 : i32
      %select_n3A_778 = arith.select %and3A_775, %sub3A_777, %div3A_756 : i32
      %jit3A_779 = arith.constant 5 : i32
      %eq3A_780 = arith.constant 0 : i32
      %eq3A_781 = arith.cmpi eq, %jit3A_779, %eq3A_780 : i32
      %jit3A_782 = arith.constant 1 : i32
      %select_n3A_783 = arith.select %eq3A_781, %jit3A_782, %jit3A_779 : i32
      %rem3A_784 = arith.remsi %sub3A_754, %select_n3A_783 : i32
      %ne3A_785 = arith.constant 0 : i32
      %ne3A_786 = arith.cmpi ne, %rem3A_784, %ne3A_785 : i32
      %lt3A_787 = arith.constant 0 : i32
      %lt3A_788 = arith.cmpi slt, %rem3A_784, %lt3A_787 : i32
      %lt3A_789 = arith.constant 0 : i32
      %lt3A_790 = arith.cmpi slt, %select_n3A_783, %lt3A_789 : i32
      %ne3A_791 = arith.xori %lt3A_788, %lt3A_790 : i1
      %and3A_792 = arith.andi %ne3A_791, %ne3A_786 : i1
      %add3A_793 = arith.addi %rem3A_784, %select_n3A_783 : i32
      %select_n3A_794 = arith.select %and3A_792, %add3A_793, %rem3A_784 : i32
      %mul3A_795 = arith.constant 200 : i32
      %mul3A_796 = arith.muli %select_n3A_794, %mul3A_795 : i32
      %multiple_of3A_797 = tpu.assume_multiple %mul3A_796, 8 : i32
      %mul3A_798 = arith.constant 128 : i32
      %mul3A_799 = arith.muli %select_n3A_778, %mul3A_798 : i32
      %add3A_800 = arith.addi %mul3A_2, %mul3A_799 : i32
      %multiple_of3A_801 = tpu.assume_multiple %add3A_800, 128 : i32
      %dma_wait3A_802 = tpu.memref_slice %arg3[%multiple_of3A_797, %multiple_of3A_801] : memref<1000x16384xf32, #tpu.memory_space<hbm>> -> memref<200x128xf32, #tpu.memory_space<hbm>>
      %dma_wait3A_803 = tpu.memref_slice %arg3[%multiple_of3A_797, %multiple_of3A_801] : memref<1000x16384xf32, #tpu.memory_space<hbm>> -> memref<200x128xf32, #tpu.memory_space<hbm>>
      tpu.wait_dma2 semaphore(%arg8 : memref<!tpu.dma_semaphore, #tpu.memory_space<semaphore_mem>>) src(%arg6 : memref<200x128xf32, #tpu.memory_space<vmem>>) dst(%dma_wait3A_803 : memref<200x128xf32, #tpu.memory_space<hbm>>)
      %sub3A_804 = arith.constant 2 : i32
      %sub3A_805 = arith.subi %add3A_752, %sub3A_804 : i32
      %jit3A_806 = arith.constant 5 : i32
      %div3A_807 = arith.divsi %sub3A_805, %jit3A_806 : i32
      %sign3A_808 = arith.constant 0 : i32
      %sign3A_809 = arith.cmpi sgt, %sub3A_805, %sign3A_808 : i32
      %sign3A_810 = arith.extui %sign3A_809 : i1 to i32
      %sign3A_811 = arith.constant 0 : i32
      %sign3A_812 = arith.cmpi slt, %sub3A_805, %sign3A_811 : i32
      %sign3A_813 = arith.extui %sign3A_812 : i1 to i32
      %sign3A_814 = arith.subi %sign3A_810, %sign3A_813 : i32
      %sign3A_815 = arith.constant 0 : i32
      %sign3A_816 = arith.cmpi sgt, %jit3A_806, %sign3A_815 : i32
      %sign3A_817 = arith.extui %sign3A_816 : i1 to i32
      %sign3A_818 = arith.constant 0 : i32
      %sign3A_819 = arith.cmpi slt, %jit3A_806, %sign3A_818 : i32
      %sign3A_820 = arith.extui %sign3A_819 : i1 to i32
      %sign3A_821 = arith.subi %sign3A_817, %sign3A_820 : i32
      %ne3A_822 = arith.cmpi ne, %sign3A_814, %sign3A_821 : i32
      %rem3A_823 = arith.remsi %sub3A_805, %jit3A_806 : i32
      %ne3A_824 = arith.constant 0 : i32
      %ne3A_825 = arith.cmpi ne, %rem3A_823, %ne3A_824 : i32
      %and3A_826 = arith.andi %ne3A_822, %ne3A_825 : i1
      %sub3A_827 = arith.constant 1 : i32
      %sub3A_828 = arith.subi %div3A_807, %sub3A_827 : i32
      %select_n3A_829 = arith.select %and3A_826, %sub3A_828, %div3A_807 : i32
      %jit3A_830 = arith.constant 5 : i32
      %eq3A_831 = arith.constant 0 : i32
      %eq3A_832 = arith.cmpi eq, %jit3A_830, %eq3A_831 : i32
      %jit3A_833 = arith.constant 1 : i32
      %select_n3A_834 = arith.select %eq3A_832, %jit3A_833, %jit3A_830 : i32
      %rem3A_835 = arith.remsi %sub3A_805, %select_n3A_834 : i32
      %ne3A_836 = arith.constant 0 : i32
      %ne3A_837 = arith.cmpi ne, %rem3A_835, %ne3A_836 : i32
      %lt3A_838 = arith.constant 0 : i32
      %lt3A_839 = arith.cmpi slt, %rem3A_835, %lt3A_838 : i32
      %lt3A_840 = arith.constant 0 : i32
      %lt3A_841 = arith.cmpi slt, %select_n3A_834, %lt3A_840 : i32
      %ne3A_842 = arith.xori %lt3A_839, %lt3A_841 : i1
      %and3A_843 = arith.andi %ne3A_842, %ne3A_837 : i1
      %add3A_844 = arith.addi %rem3A_835, %select_n3A_834 : i32
      %select_n3A_845 = arith.select %and3A_843, %add3A_844, %rem3A_835 : i32
      %mul3A_846 = arith.constant 200 : i32
      %mul3A_847 = arith.muli %select_n3A_845, %mul3A_846 : i32
      %multiple_of3A_848 = tpu.assume_multiple %mul3A_847, 8 : i32
      %mul3A_849 = arith.constant 128 : i32
      %mul3A_850 = arith.muli %select_n3A_829, %mul3A_849 : i32
      %add3A_851 = arith.constant 0 : i32
      %add3A_852 = arith.addi %mul3A_850, %add3A_851 : i32
      %get3A_853 = arith.index_cast %add3A_852 : i32 to index
      %get3A_854 = tpu.vector_load %arg4[%get3A_853] {strides = array<i32>} : memref<512xi32, #tpu.memory_space<vmem>>, vector<16xi32>,
      %add3A_855 = arith.constant 0 : i32
      %add3A_856 = vector.broadcast %add3A_855 : i32 to vector<16xi32>
      %add3A_857 = arith.addi %add3A_856, %iota3A : vector<16xi32>
      %ge3A_858 = vector.broadcast %multiple_of3A_848 : i32 to vector<16xi32>
      %ge3A_859 = arith.cmpi sge, %get3A_854, %ge3A_858 : vector<16xi32>
      %add3A_860 = arith.constant 200 : i32
      %add3A_861 = arith.addi %multiple_of3A_848, %add3A_860 : i32
      %lt3A_862 = vector.broadcast %add3A_861 : i32 to vector<16xi32>
      %lt3A_863 = arith.cmpi slt, %get3A_854, %lt3A_862 : vector<16xi32>
      %and3A_864 = arith.andi %ge3A_859, %lt3A_863 : vector<16xi1>
      %sub3A_865 = vector.broadcast %multiple_of3A_848 : i32 to vector<16xi32>
      %sub3A_866 = arith.subi %get3A_854, %sub3A_865 : vector<16xi32>
      tpu.vector_store_idx %arg6[%sub3A_866, %add3A_857], %broadcast_in_dim3A_4 masked %and3A_864 : memref<200x128xf32, #tpu.memory_space<vmem>>[vector<16xi32>, vector<16xi32>], vector<16xf32>, vector<16xi1>
      %mul3A_867 = arith.constant 128 : i32
      %mul3A_868 = arith.muli %select_n3A_829, %mul3A_867 : i32
      %add3A_869 = arith.constant 16 : i32
      %add3A_870 = arith.addi %mul3A_868, %add3A_869 : i32
      %get3A_871 = arith.index_cast %add3A_870 : i32 to index
      %get3A_872 = tpu.vector_load %arg4[%get3A_871] {strides = array<i32>} : memref<512xi32, #tpu.memory_space<vmem>>, vector<16xi32>,
      %add3A_873 = arith.constant 16 : i32
      %add3A_874 = vector.broadcast %add3A_873 : i32 to vector<16xi32>
      %add3A_875 = arith.addi %add3A_874, %iota3A : vector<16xi32>
      %ge3A_876 = vector.broadcast %multiple_of3A_848 : i32 to vector<16xi32>
      %ge3A_877 = arith.cmpi sge, %get3A_872, %ge3A_876 : vector<16xi32>
      %add3A_878 = arith.constant 200 : i32
      %add3A_879 = arith.addi %multiple_of3A_848, %add3A_878 : i32
      %lt3A_880 = vector.broadcast %add3A_879 : i32 to vector<16xi32>
      %lt3A_881 = arith.cmpi slt, %get3A_872, %lt3A_880 : vector<16xi32>
      %and3A_882 = arith.andi %ge3A_877, %lt3A_881 : vector<16xi1>
      %sub3A_883 = vector.broadcast %multiple_of3A_848 : i32 to vector<16xi32>
      %sub3A_884 = arith.subi %get3A_872, %sub3A_883 : vector<16xi32>
      tpu.vector_store_idx %arg6[%sub3A_884, %add3A_875], %broadcast_in_dim3A_4 masked %and3A_882 : memref<200x128xf32, #tpu.memory_space<vmem>>[vector<16xi32>, vector<16xi32>], vector<16xf32>, vector<16xi1>
      %mul3A_885 = arith.constant 128 : i32
      %mul3A_886 = arith.muli %select_n3A_829, %mul3A_885 : i32
      %add3A_887 = arith.constant 32 : i32
      %add3A_888 = arith.addi %mul3A_886, %add3A_887 : i32
      %get3A_889 = arith.index_cast %add3A_888 : i32 to index
      %get3A_890 = tpu.vector_load %arg4[%get3A_889] {strides = array<i32>} : memref<512xi32, #tpu.memory_space<vmem>>, vector<16xi32>,
      %add3A_891 = arith.constant 32 : i32
      %add3A_892 = vector.broadcast %add3A_891 : i32 to vector<16xi32>
      %add3A_893 = arith.addi %add3A_892, %iota3A : vector<16xi32>
      %ge3A_894 = vector.broadcast %multiple_of3A_848 : i32 to vector<16xi32>
      %ge3A_895 = arith.cmpi sge, %get3A_890, %ge3A_894 : vector<16xi32>
      %add3A_896 = arith.constant 200 : i32
      %add3A_897 = arith.addi %multiple_of3A_848, %add3A_896 : i32
      %lt3A_898 = vector.broadcast %add3A_897 : i32 to vector<16xi32>
      %lt3A_899 = arith.cmpi slt, %get3A_890, %lt3A_898 : vector<16xi32>
      %and3A_900 = arith.andi %ge3A_895, %lt3A_899 : vector<16xi1>
      %sub3A_901 = vector.broadcast %multiple_of3A_848 : i32 to vector<16xi32>
      %sub3A_902 = arith.subi %get3A_890, %sub3A_901 : vector<16xi32>
      tpu.vector_store_idx %arg6[%sub3A_902, %add3A_893], %broadcast_in_dim3A_4 masked %and3A_900 : memref<200x128xf32, #tpu.memory_space<vmem>>[vector<16xi32>, vector<16xi32>], vector<16xf32>, vector<16xi1>
      %mul3A_903 = arith.constant 128 : i32
      %mul3A_904 = arith.muli %select_n3A_829, %mul3A_903 : i32
      %add3A_905 = arith.constant 48 : i32
      %add3A_906 = arith.addi %mul3A_904, %add3A_905 : i32
      %get3A_907 = arith.index_cast %add3A_906 : i32 to index
      %get3A_908 = tpu.vector_load %arg4[%get3A_907] {strides = array<i32>} : memref<512xi32, #tpu.memory_space<vmem>>, vector<16xi32>,
      %add3A_909 = arith.constant 48 : i32
      %add3A_910 = vector.broadcast %add3A_909 : i32 to vector<16xi32>
      %add3A_911 = arith.addi %add3A_910, %iota3A : vector<16xi32>
      %ge3A_912 = vector.broadcast %multiple_of3A_848 : i32 to vector<16xi32>
      %ge3A_913 = arith.cmpi sge, %get3A_908, %ge3A_912 : vector<16xi32>
      %add3A_914 = arith.constant 200 : i32
      %add3A_915 = arith.addi %multiple_of3A_848, %add3A_914 : i32
      %lt3A_916 = vector.broadcast %add3A_915 : i32 to vector<16xi32>
      %lt3A_917 = arith.cmpi slt, %get3A_908, %lt3A_916 : vector<16xi32>
      %and3A_918 = arith.andi %ge3A_913, %lt3A_917 : vector<16xi1>
      %sub3A_919 = vector.broadcast %multiple_of3A_848 : i32 to vector<16xi32>
      %sub3A_920 = arith.subi %get3A_908, %sub3A_919 : vector<16xi32>
      tpu.vector_store_idx %arg6[%sub3A_920, %add3A_911], %broadcast_in_dim3A_4 masked %and3A_918 : memref<200x128xf32, #tpu.memory_space<vmem>>[vector<16xi32>, vector<16xi32>], vector<16xf32>, vector<16xi1>
      %mul3A_921 = arith.constant 128 : i32
      %mul3A_922 = arith.muli %select_n3A_829, %mul3A_921 : i32
      %add3A_923 = arith.constant 64 : i32
      %add3A_924 = arith.addi %mul3A_922, %add3A_923 : i32
      %get3A_925 = arith.index_cast %add3A_924 : i32 to index
      %get3A_926 = tpu.vector_load %arg4[%get3A_925] {strides = array<i32>} : memref<512xi32, #tpu.memory_space<vmem>>, vector<16xi32>,
      %add3A_927 = arith.constant 64 : i32
      %add3A_928 = vector.broadcast %add3A_927 : i32 to vector<16xi32>
      %add3A_929 = arith.addi %add3A_928, %iota3A : vector<16xi32>
      %ge3A_930 = vector.broadcast %multiple_of3A_848 : i32 to vector<16xi32>
      %ge3A_931 = arith.cmpi sge, %get3A_926, %ge3A_930 : vector<16xi32>
      %add3A_932 = arith.constant 200 : i32
      %add3A_933 = arith.addi %multiple_of3A_848, %add3A_932 : i32
      %lt3A_934 = vector.broadcast %add3A_933 : i32 to vector<16xi32>
      %lt3A_935 = arith.cmpi slt, %get3A_926, %lt3A_934 : vector<16xi32>
      %and3A_936 = arith.andi %ge3A_931, %lt3A_935 : vector<16xi1>
      %sub3A_937 = vector.broadcast %multiple_of3A_848 : i32 to vector<16xi32>
      %sub3A_938 = arith.subi %get3A_926, %sub3A_937 : vector<16xi32>
      tpu.vector_store_idx %arg6[%sub3A_938, %add3A_929], %broadcast_in_dim3A_4 masked %and3A_936 : memref<200x128xf32, #tpu.memory_space<vmem>>[vector<16xi32>, vector<16xi32>], vector<16xf32>, vector<16xi1>
      %mul3A_939 = arith.constant 128 : i32
      %mul3A_940 = arith.muli %select_n3A_829, %mul3A_939 : i32
      %add3A_941 = arith.constant 80 : i32
      %add3A_942 = arith.addi %mul3A_940, %add3A_941 : i32
      %get3A_943 = arith.index_cast %add3A_942 : i32 to index
      %get3A_944 = tpu.vector_load %arg4[%get3A_943] {strides = array<i32>} : memref<512xi32, #tpu.memory_space<vmem>>, vector<16xi32>,
      %add3A_945 = arith.constant 80 : i32
      %add3A_946 = vector.broadcast %add3A_945 : i32 to vector<16xi32>
      %add3A_947 = arith.addi %add3A_946, %iota3A : vector<16xi32>
      %ge3A_948 = vector.broadcast %multiple_of3A_848 : i32 to vector<16xi32>
      %ge3A_949 = arith.cmpi sge, %get3A_944, %ge3A_948 : vector<16xi32>
      %add3A_950 = arith.constant 200 : i32
      %add3A_951 = arith.addi %multiple_of3A_848, %add3A_950 : i32
      %lt3A_952 = vector.broadcast %add3A_951 : i32 to vector<16xi32>
      %lt3A_953 = arith.cmpi slt, %get3A_944, %lt3A_952 : vector<16xi32>
      %and3A_954 = arith.andi %ge3A_949, %lt3A_953 : vector<16xi1>
      %sub3A_955 = vector.broadcast %multiple_of3A_848 : i32 to vector<16xi32>
      %sub3A_956 = arith.subi %get3A_944, %sub3A_955 : vector<16xi32>
      tpu.vector_store_idx %arg6[%sub3A_956, %add3A_947], %broadcast_in_dim3A_4 masked %and3A_954 : memref<200x128xf32, #tpu.memory_space<vmem>>[vector<16xi32>, vector<16xi32>], vector<16xf32>, vector<16xi1>
      %mul3A_957 = arith.constant 128 : i32
      %mul3A_958 = arith.muli %select_n3A_829, %mul3A_957 : i32
      %add3A_959 = arith.constant 96 : i32
      %add3A_960 = arith.addi %mul3A_958, %add3A_959 : i32
      %get3A_961 = arith.index_cast %add3A_960 : i32 to index
      %get3A_962 = tpu.vector_load %arg4[%get3A_961] {strides = array<i32>} : memref<512xi32, #tpu.memory_space<vmem>>, vector<16xi32>,
      %add3A_963 = arith.constant 96 : i32
      %add3A_964 = vector.broadcast %add3A_963 : i32 to vector<16xi32>
      %add3A_965 = arith.addi %add3A_964, %iota3A : vector<16xi32>
      %ge3A_966 = vector.broadcast %multiple_of3A_848 : i32 to vector<16xi32>
      %ge3A_967 = arith.cmpi sge, %get3A_962, %ge3A_966 : vector<16xi32>
      %add3A_968 = arith.constant 200 : i32
      %add3A_969 = arith.addi %multiple_of3A_848, %add3A_968 : i32
      %lt3A_970 = vector.broadcast %add3A_969 : i32 to vector<16xi32>
      %lt3A_971 = arith.cmpi slt, %get3A_962, %lt3A_970 : vector<16xi32>
      %and3A_972 = arith.andi %ge3A_967, %lt3A_971 : vector<16xi1>
      %sub3A_973 = vector.broadcast %multiple_of3A_848 : i32 to vector<16xi32>
      %sub3A_974 = arith.subi %get3A_962, %sub3A_973 : vector<16xi32>
      tpu.vector_store_idx %arg6[%sub3A_974, %add3A_965], %broadcast_in_dim3A_4 masked %and3A_972 : memref<200x128xf32, #tpu.memory_space<vmem>>[vector<16xi32>, vector<16xi32>], vector<16xf32>, vector<16xi1>
      %mul3A_975 = arith.constant 128 : i32
      %mul3A_976 = arith.muli %select_n3A_829, %mul3A_975 : i32
      %add3A_977 = arith.constant 112 : i32
      %add3A_978 = arith.addi %mul3A_976, %add3A_977 : i32
      %get3A_979 = arith.index_cast %add3A_978 : i32 to index
      %get3A_980 = tpu.vector_load %arg4[%get3A_979] {strides = array<i32>} : memref<512xi32, #tpu.memory_space<vmem>>, vector<16xi32>,
      %add3A_981 = arith.constant 112 : i32
      %add3A_982 = vector.broadcast %add3A_981 : i32 to vector<16xi32>
      %add3A_983 = arith.addi %add3A_982, %iota3A : vector<16xi32>
      %ge3A_984 = vector.broadcast %multiple_of3A_848 : i32 to vector<16xi32>
      %ge3A_985 = arith.cmpi sge, %get3A_980, %ge3A_984 : vector<16xi32>
      %add3A_986 = arith.constant 200 : i32
      %add3A_987 = arith.addi %multiple_of3A_848, %add3A_986 : i32
      %lt3A_988 = vector.broadcast %add3A_987 : i32 to vector<16xi32>
      %lt3A_989 = arith.cmpi slt, %get3A_980, %lt3A_988 : vector<16xi32>
      %and3A_990 = arith.andi %ge3A_985, %lt3A_989 : vector<16xi1>
      %sub3A_991 = vector.broadcast %multiple_of3A_848 : i32 to vector<16xi32>
      %sub3A_992 = arith.subi %get3A_980, %sub3A_991 : vector<16xi32>
      tpu.vector_store_idx %arg6[%sub3A_992, %add3A_983], %broadcast_in_dim3A_4 masked %and3A_990 : memref<200x128xf32, #tpu.memory_space<vmem>>[vector<16xi32>, vector<16xi32>], vector<16xf32>, vector<16xi1>
      %jit3A_993 = arith.constant 5 : i32
      %div3A_994 = arith.divsi %add3A_752, %jit3A_993 : i32
      %sign3A_995 = arith.constant 0 : i32
      %sign3A_996 = arith.cmpi sgt, %add3A_752, %sign3A_995 : i32
      %sign3A_997 = arith.extui %sign3A_996 : i1 to i32
      %sign3A_998 = arith.constant 0 : i32
      %sign3A_999 = arith.cmpi slt, %add3A_752, %sign3A_998 : i32
      %sign3A_1000 = arith.extui %sign3A_999 : i1 to i32
      %sign3A_1001 = arith.subi %sign3A_997, %sign3A_1000 : i32
      %sign3A_1002 = arith.constant 0 : i32
      %sign3A_1003 = arith.cmpi sgt, %jit3A_993, %sign3A_1002 : i32
      %sign3A_1004 = arith.extui %sign3A_1003 : i1 to i32
      %sign3A_1005 = arith.constant 0 : i32
      %sign3A_1006 = arith.cmpi slt, %jit3A_993, %sign3A_1005 : i32
      %sign3A_1007 = arith.extui %sign3A_1006 : i1 to i32
      %sign3A_1008 = arith.subi %sign3A_1004, %sign3A_1007 : i32
      %ne3A_1009 = arith.cmpi ne, %sign3A_1001, %sign3A_1008 : i32
      %rem3A_1010 = arith.remsi %add3A_752, %jit3A_993 : i32
      %ne3A_1011 = arith.constant 0 : i32
      %ne3A_1012 = arith.cmpi ne, %rem3A_1010, %ne3A_1011 : i32
      %and3A_1013 = arith.andi %ne3A_1009, %ne3A_1012 : i1
      %sub3A_1014 = arith.constant 1 : i32
      %sub3A_1015 = arith.subi %div3A_994, %sub3A_1014 : i32
      %select_n3A_1016 = arith.select %and3A_1013, %sub3A_1015, %div3A_994 : i32
      %jit3A_1017 = arith.constant 5 : i32
      %eq3A_1018 = arith.constant 0 : i32
      %eq3A_1019 = arith.cmpi eq, %jit3A_1017, %eq3A_1018 : i32
      %jit3A_1020 = arith.constant 1 : i32
      %select_n3A_1021 = arith.select %eq3A_1019, %jit3A_1020, %jit3A_1017 : i32
      %rem3A_1022 = arith.remsi %add3A_752, %select_n3A_1021 : i32
      %ne3A_1023 = arith.constant 0 : i32
      %ne3A_1024 = arith.cmpi ne, %rem3A_1022, %ne3A_1023 : i32
      %lt3A_1025 = arith.constant 0 : i32
      %lt3A_1026 = arith.cmpi slt, %rem3A_1022, %lt3A_1025 : i32
      %lt3A_1027 = arith.constant 0 : i32
      %lt3A_1028 = arith.cmpi slt, %select_n3A_1021, %lt3A_1027 : i32
      %ne3A_1029 = arith.xori %lt3A_1026, %lt3A_1028 : i1
      %and3A_1030 = arith.andi %ne3A_1029, %ne3A_1024 : i1
      %add3A_1031 = arith.addi %rem3A_1022, %select_n3A_1021 : i32
      %select_n3A_1032 = arith.select %and3A_1030, %add3A_1031, %rem3A_1022 : i32
      %mul3A_1033 = arith.constant 200 : i32
      %mul3A_1034 = arith.muli %select_n3A_1032, %mul3A_1033 : i32
      %multiple_of3A_1035 = tpu.assume_multiple %mul3A_1034, 8 : i32
      %mul3A_1036 = arith.constant 128 : i32
      %mul3A_1037 = arith.muli %select_n3A_1016, %mul3A_1036 : i32
      %add3A_1038 = arith.constant 0 : i32
      %add3A_1039 = arith.addi %mul3A_1037, %add3A_1038 : i32
      %get3A_1040 = arith.index_cast %add3A_1039 : i32 to index
      %get3A_1041 = tpu.vector_load %arg4[%get3A_1040] {strides = array<i32>} : memref<512xi32, #tpu.memory_space<vmem>>, vector<16xi32>,
      %add3A_1042 = arith.constant 0 : i32
      %add3A_1043 = vector.broadcast %add3A_1042 : i32 to vector<16xi32>
      %add3A_1044 = arith.addi %add3A_1043, %iota3A : vector<16xi32>
      %ge3A_1045 = vector.broadcast %multiple_of3A_1035 : i32 to vector<16xi32>
      %ge3A_1046 = arith.cmpi sge, %get3A_1041, %ge3A_1045 : vector<16xi32>
      %add3A_1047 = arith.constant 200 : i32
      %add3A_1048 = arith.addi %multiple_of3A_1035, %add3A_1047 : i32
      %lt3A_1049 = vector.broadcast %add3A_1048 : i32 to vector<16xi32>
      %lt3A_1050 = arith.cmpi slt, %get3A_1041, %lt3A_1049 : vector<16xi32>
      %and3A_1051 = arith.andi %ge3A_1046, %lt3A_1050 : vector<16xi1>
      %sub3A_1052 = vector.broadcast %multiple_of3A_1035 : i32 to vector<16xi32>
      %sub3A_1053 = arith.subi %get3A_1041, %sub3A_1052 : vector<16xi32>
      tpu.vector_store_idx %arg6[%sub3A_1053, %add3A_1044], %broadcast_in_dim3A_6 masked %and3A_1051 : memref<200x128xf32, #tpu.memory_space<vmem>>[vector<16xi32>, vector<16xi32>], vector<16xf32>, vector<16xi1>
      %mul3A_1054 = arith.constant 128 : i32
      %mul3A_1055 = arith.muli %select_n3A_1016, %mul3A_1054 : i32
      %add3A_1056 = arith.constant 16 : i32
      %add3A_1057 = arith.addi %mul3A_1055, %add3A_1056 : i32
      %get3A_1058 = arith.index_cast %add3A_1057 : i32 to index
      %get3A_1059 = tpu.vector_load %arg4[%get3A_1058] {strides = array<i32>} : memref<512xi32, #tpu.memory_space<vmem>>, vector<16xi32>,
      %add3A_1060 = arith.constant 16 : i32
      %add3A_1061 = vector.broadcast %add3A_1060 : i32 to vector<16xi32>
      %add3A_1062 = arith.addi %add3A_1061, %iota3A : vector<16xi32>
      %ge3A_1063 = vector.broadcast %multiple_of3A_1035 : i32 to vector<16xi32>
      %ge3A_1064 = arith.cmpi sge, %get3A_1059, %ge3A_1063 : vector<16xi32>
      %add3A_1065 = arith.constant 200 : i32
      %add3A_1066 = arith.addi %multiple_of3A_1035, %add3A_1065 : i32
      %lt3A_1067 = vector.broadcast %add3A_1066 : i32 to vector<16xi32>
      %lt3A_1068 = arith.cmpi slt, %get3A_1059, %lt3A_1067 : vector<16xi32>
      %and3A_1069 = arith.andi %ge3A_1064, %lt3A_1068 : vector<16xi1>
      %sub3A_1070 = vector.broadcast %multiple_of3A_1035 : i32 to vector<16xi32>
      %sub3A_1071 = arith.subi %get3A_1059, %sub3A_1070 : vector<16xi32>
      tpu.vector_store_idx %arg6[%sub3A_1071, %add3A_1062], %broadcast_in_dim3A_6 masked %and3A_1069 : memref<200x128xf32, #tpu.memory_space<vmem>>[vector<16xi32>, vector<16xi32>], vector<16xf32>, vector<16xi1>
      %mul3A_1072 = arith.constant 128 : i32
      %mul3A_1073 = arith.muli %select_n3A_1016, %mul3A_1072 : i32
      %add3A_1074 = arith.constant 32 : i32
      %add3A_1075 = arith.addi %mul3A_1073, %add3A_1074 : i32
      %get3A_1076 = arith.index_cast %add3A_1075 : i32 to index
      %get3A_1077 = tpu.vector_load %arg4[%get3A_1076] {strides = array<i32>} : memref<512xi32, #tpu.memory_space<vmem>>, vector<16xi32>,
      %add3A_1078 = arith.constant 32 : i32
      %add3A_1079 = vector.broadcast %add3A_1078 : i32 to vector<16xi32>
      %add3A_1080 = arith.addi %add3A_1079, %iota3A : vector<16xi32>
      %ge3A_1081 = vector.broadcast %multiple_of3A_1035 : i32 to vector<16xi32>
      %ge3A_1082 = arith.cmpi sge, %get3A_1077, %ge3A_1081 : vector<16xi32>
      %add3A_1083 = arith.constant 200 : i32
      %add3A_1084 = arith.addi %multiple_of3A_1035, %add3A_1083 : i32
      %lt3A_1085 = vector.broadcast %add3A_1084 : i32 to vector<16xi32>
      %lt3A_1086 = arith.cmpi slt, %get3A_1077, %lt3A_1085 : vector<16xi32>
      %and3A_1087 = arith.andi %ge3A_1082, %lt3A_1086 : vector<16xi1>
      %sub3A_1088 = vector.broadcast %multiple_of3A_1035 : i32 to vector<16xi32>
      %sub3A_1089 = arith.subi %get3A_1077, %sub3A_1088 : vector<16xi32>
      tpu.vector_store_idx %arg6[%sub3A_1089, %add3A_1080], %broadcast_in_dim3A_6 masked %and3A_1087 : memref<200x128xf32, #tpu.memory_space<vmem>>[vector<16xi32>, vector<16xi32>], vector<16xf32>, vector<16xi1>
      %mul3A_1090 = arith.constant 128 : i32
      %mul3A_1091 = arith.muli %select_n3A_1016, %mul3A_1090 : i32
      %add3A_1092 = arith.constant 48 : i32
      %add3A_1093 = arith.addi %mul3A_1091, %add3A_1092 : i32
      %get3A_1094 = arith.index_cast %add3A_1093 : i32 to index
      %get3A_1095 = tpu.vector_load %arg4[%get3A_1094] {strides = array<i32>} : memref<512xi32, #tpu.memory_space<vmem>>, vector<16xi32>,
      %add3A_1096 = arith.constant 48 : i32
      %add3A_1097 = vector.broadcast %add3A_1096 : i32 to vector<16xi32>
      %add3A_1098 = arith.addi %add3A_1097, %iota3A : vector<16xi32>
      %ge3A_1099 = vector.broadcast %multiple_of3A_1035 : i32 to vector<16xi32>
      %ge3A_1100 = arith.cmpi sge, %get3A_1095, %ge3A_1099 : vector<16xi32>
      %add3A_1101 = arith.constant 200 : i32
      %add3A_1102 = arith.addi %multiple_of3A_1035, %add3A_1101 : i32
      %lt3A_1103 = vector.broadcast %add3A_1102 : i32 to vector<16xi32>
      %lt3A_1104 = arith.cmpi slt, %get3A_1095, %lt3A_1103 : vector<16xi32>
      %and3A_1105 = arith.andi %ge3A_1100, %lt3A_1104 : vector<16xi1>
      %sub3A_1106 = vector.broadcast %multiple_of3A_1035 : i32 to vector<16xi32>
      %sub3A_1107 = arith.subi %get3A_1095, %sub3A_1106 : vector<16xi32>
      tpu.vector_store_idx %arg6[%sub3A_1107, %add3A_1098], %broadcast_in_dim3A_6 masked %and3A_1105 : memref<200x128xf32, #tpu.memory_space<vmem>>[vector<16xi32>, vector<16xi32>], vector<16xf32>, vector<16xi1>
      %mul3A_1108 = arith.constant 128 : i32
      %mul3A_1109 = arith.muli %select_n3A_1016, %mul3A_1108 : i32
      %add3A_1110 = arith.constant 64 : i32
      %add3A_1111 = arith.addi %mul3A_1109, %add3A_1110 : i32
      %get3A_1112 = arith.index_cast %add3A_1111 : i32 to index
      %get3A_1113 = tpu.vector_load %arg4[%get3A_1112] {strides = array<i32>} : memref<512xi32, #tpu.memory_space<vmem>>, vector<16xi32>,
      %add3A_1114 = arith.constant 64 : i32
      %add3A_1115 = vector.broadcast %add3A_1114 : i32 to vector<16xi32>
      %add3A_1116 = arith.addi %add3A_1115, %iota3A : vector<16xi32>
      %ge3A_1117 = vector.broadcast %multiple_of3A_1035 : i32 to vector<16xi32>
      %ge3A_1118 = arith.cmpi sge, %get3A_1113, %ge3A_1117 : vector<16xi32>
      %add3A_1119 = arith.constant 200 : i32
      %add3A_1120 = arith.addi %multiple_of3A_1035, %add3A_1119 : i32
      %lt3A_1121 = vector.broadcast %add3A_1120 : i32 to vector<16xi32>
      %lt3A_1122 = arith.cmpi slt, %get3A_1113, %lt3A_1121 : vector<16xi32>
      %and3A_1123 = arith.andi %ge3A_1118, %lt3A_1122 : vector<16xi1>
      %sub3A_1124 = vector.broadcast %multiple_of3A_1035 : i32 to vector<16xi32>
      %sub3A_1125 = arith.subi %get3A_1113, %sub3A_1124 : vector<16xi32>
      tpu.vector_store_idx %arg6[%sub3A_1125, %add3A_1116], %broadcast_in_dim3A_6 masked %and3A_1123 : memref<200x128xf32, #tpu.memory_space<vmem>>[vector<16xi32>, vector<16xi32>], vector<16xf32>, vector<16xi1>
      %mul3A_1126 = arith.constant 128 : i32
      %mul3A_1127 = arith.muli %select_n3A_1016, %mul3A_1126 : i32
      %add3A_1128 = arith.constant 80 : i32
      %add3A_1129 = arith.addi %mul3A_1127, %add3A_1128 : i32
      %get3A_1130 = arith.index_cast %add3A_1129 : i32 to index
      %get3A_1131 = tpu.vector_load %arg4[%get3A_1130] {strides = array<i32>} : memref<512xi32, #tpu.memory_space<vmem>>, vector<16xi32>,
      %add3A_1132 = arith.constant 80 : i32
      %add3A_1133 = vector.broadcast %add3A_1132 : i32 to vector<16xi32>
      %add3A_1134 = arith.addi %add3A_1133, %iota3A : vector<16xi32>
      %ge3A_1135 = vector.broadcast %multiple_of3A_1035 : i32 to vector<16xi32>
      %ge3A_1136 = arith.cmpi sge, %get3A_1131, %ge3A_1135 : vector<16xi32>
      %add3A_1137 = arith.constant 200 : i32
      %add3A_1138 = arith.addi %multiple_of3A_1035, %add3A_1137 : i32
      %lt3A_1139 = vector.broadcast %add3A_1138 : i32 to vector<16xi32>
      %lt3A_1140 = arith.cmpi slt, %get3A_1131, %lt3A_1139 : vector<16xi32>
      %and3A_1141 = arith.andi %ge3A_1136, %lt3A_1140 : vector<16xi1>
      %sub3A_1142 = vector.broadcast %multiple_of3A_1035 : i32 to vector<16xi32>
      %sub3A_1143 = arith.subi %get3A_1131, %sub3A_1142 : vector<16xi32>
      tpu.vector_store_idx %arg6[%sub3A_1143, %add3A_1134], %broadcast_in_dim3A_6 masked %and3A_1141 : memref<200x128xf32, #tpu.memory_space<vmem>>[vector<16xi32>, vector<16xi32>], vector<16xf32>, vector<16xi1>
      %mul3A_1144 = arith.constant 128 : i32
      %mul3A_1145 = arith.muli %select_n3A_1016, %mul3A_1144 : i32
      %add3A_1146 = arith.constant 96 : i32
      %add3A_1147 = arith.addi %mul3A_1145, %add3A_1146 : i32
      %get3A_1148 = arith.index_cast %add3A_1147 : i32 to index
      %get3A_1149 = tpu.vector_load %arg4[%get3A_1148] {strides = array<i32>} : memref<512xi32, #tpu.memory_space<vmem>>, vector<16xi32>,
      %add3A_1150 = arith.constant 96 : i32
      %add3A_1151 = vector.broadcast %add3A_1150 : i32 to vector<16xi32>
      %add3A_1152 = arith.addi %add3A_1151, %iota3A : vector<16xi32>
      %ge3A_1153 = vector.broadcast %multiple_of3A_1035 : i32 to vector<16xi32>
      %ge3A_1154 = arith.cmpi sge, %get3A_1149, %ge3A_1153 : vector<16xi32>
      %add3A_1155 = arith.constant 200 : i32
      %add3A_1156 = arith.addi %multiple_of3A_1035, %add3A_1155 : i32
      %lt3A_1157 = vector.broadcast %add3A_1156 : i32 to vector<16xi32>
      %lt3A_1158 = arith.cmpi slt, %get3A_1149, %lt3A_1157 : vector<16xi32>
      %and3A_1159 = arith.andi %ge3A_1154, %lt3A_1158 : vector<16xi1>
      %sub3A_1160 = vector.broadcast %multiple_of3A_1035 : i32 to vector<16xi32>
      %sub3A_1161 = arith.subi %get3A_1149, %sub3A_1160 : vector<16xi32>
      tpu.vector_store_idx %arg6[%sub3A_1161, %add3A_1152], %broadcast_in_dim3A_6 masked %and3A_1159 : memref<200x128xf32, #tpu.memory_space<vmem>>[vector<16xi32>, vector<16xi32>], vector<16xf32>, vector<16xi1>
      %mul3A_1162 = arith.constant 128 : i32
      %mul3A_1163 = arith.muli %select_n3A_1016, %mul3A_1162 : i32
      %add3A_1164 = arith.constant 112 : i32
      %add3A_1165 = arith.addi %mul3A_1163, %add3A_1164 : i32
      %get3A_1166 = arith.index_cast %add3A_1165 : i32 to index
      %get3A_1167 = tpu.vector_load %arg4[%get3A_1166] {strides = array<i32>} : memref<512xi32, #tpu.memory_space<vmem>>, vector<16xi32>,
      %add3A_1168 = arith.constant 112 : i32
      %add3A_1169 = vector.broadcast %add3A_1168 : i32 to vector<16xi32>
      %add3A_1170 = arith.addi %add3A_1169, %iota3A : vector<16xi32>
      %ge3A_1171 = vector.broadcast %multiple_of3A_1035 : i32 to vector<16xi32>
      %ge3A_1172 = arith.cmpi sge, %get3A_1167, %ge3A_1171 : vector<16xi32>
      %add3A_1173 = arith.constant 200 : i32
      %add3A_1174 = arith.addi %multiple_of3A_1035, %add3A_1173 : i32
      %lt3A_1175 = vector.broadcast %add3A_1174 : i32 to vector<16xi32>
      %lt3A_1176 = arith.cmpi slt, %get3A_1167, %lt3A_1175 : vector<16xi32>
      %and3A_1177 = arith.andi %ge3A_1172, %lt3A_1176 : vector<16xi1>
      %sub3A_1178 = vector.broadcast %multiple_of3A_1035 : i32 to vector<16xi32>
      %sub3A_1179 = arith.subi %get3A_1167, %sub3A_1178 : vector<16xi32>
      tpu.vector_store_idx %arg6[%sub3A_1179, %add3A_1170], %broadcast_in_dim3A_6 masked %and3A_1177 : memref<200x128xf32, #tpu.memory_space<vmem>>[vector<16xi32>, vector<16xi32>], vector<16xf32>, vector<16xi1>
      %jit3A_1180 = arith.constant 5 : i32
      %div3A_1181 = arith.divsi %add3A_752, %jit3A_1180 : i32
      %sign3A_1182 = arith.constant 0 : i32
      %sign3A_1183 = arith.cmpi sgt, %add3A_752, %sign3A_1182 : i32
      %sign3A_1184 = arith.extui %sign3A_1183 : i1 to i32
      %sign3A_1185 = arith.constant 0 : i32
      %sign3A_1186 = arith.cmpi slt, %add3A_752, %sign3A_1185 : i32
      %sign3A_1187 = arith.extui %sign3A_1186 : i1 to i32
      %sign3A_1188 = arith.subi %sign3A_1184, %sign3A_1187 : i32
      %sign3A_1189 = arith.constant 0 : i32
      %sign3A_1190 = arith.cmpi sgt, %jit3A_1180, %sign3A_1189 : i32
      %sign3A_1191 = arith.extui %sign3A_1190 : i1 to i32
      %sign3A_1192 = arith.constant 0 : i32
      %sign3A_1193 = arith.cmpi slt, %jit3A_1180, %sign3A_1192 : i32
      %sign3A_1194 = arith.extui %sign3A_1193 : i1 to i32
      %sign3A_1195 = arith.subi %sign3A_1191, %sign3A_1194 : i32
      %ne3A_1196 = arith.cmpi ne, %sign3A_1188, %sign3A_1195 : i32
      %rem3A_1197 = arith.remsi %add3A_752, %jit3A_1180 : i32
      %ne3A_1198 = arith.constant 0 : i32
      %ne3A_1199 = arith.cmpi ne, %rem3A_1197, %ne3A_1198 : i32
      %and3A_1200 = arith.andi %ne3A_1196, %ne3A_1199 : i1
      %sub3A_1201 = arith.constant 1 : i32
      %sub3A_1202 = arith.subi %div3A_1181, %sub3A_1201 : i32
      %select_n3A_1203 = arith.select %and3A_1200, %sub3A_1202, %div3A_1181 : i32
      %jit3A_1204 = arith.constant 5 : i32
      %eq3A_1205 = arith.constant 0 : i32
      %eq3A_1206 = arith.cmpi eq, %jit3A_1204, %eq3A_1205 : i32
      %jit3A_1207 = arith.constant 1 : i32
      %select_n3A_1208 = arith.select %eq3A_1206, %jit3A_1207, %jit3A_1204 : i32
      %rem3A_1209 = arith.remsi %add3A_752, %select_n3A_1208 : i32
      %ne3A_1210 = arith.constant 0 : i32
      %ne3A_1211 = arith.cmpi ne, %rem3A_1209, %ne3A_1210 : i32
      %lt3A_1212 = arith.constant 0 : i32
      %lt3A_1213 = arith.cmpi slt, %rem3A_1209, %lt3A_1212 : i32
      %lt3A_1214 = arith.constant 0 : i32
      %lt3A_1215 = arith.cmpi slt, %select_n3A_1208, %lt3A_1214 : i32
      %ne3A_1216 = arith.xori %lt3A_1213, %lt3A_1215 : i1
      %and3A_1217 = arith.andi %ne3A_1216, %ne3A_1211 : i1
      %add3A_1218 = arith.addi %rem3A_1209, %select_n3A_1208 : i32
      %select_n3A_1219 = arith.select %and3A_1217, %add3A_1218, %rem3A_1209 : i32
      %mul3A_1220 = arith.constant 200 : i32
      %mul3A_1221 = arith.muli %select_n3A_1219, %mul3A_1220 : i32
      %multiple_of3A_1222 = tpu.assume_multiple %mul3A_1221, 8 : i32
      %mul3A_1223 = arith.constant 128 : i32
      %mul3A_1224 = arith.muli %select_n3A_1203, %mul3A_1223 : i32
      %add3A_1225 = arith.addi %mul3A_2, %mul3A_1224 : i32
      %multiple_of3A_1226 = tpu.assume_multiple %add3A_1225, 128 : i32
      %dma_start3A_1227 = tpu.memref_slice %arg3[%multiple_of3A_1222, %multiple_of3A_1226] : memref<1000x16384xf32, #tpu.memory_space<hbm>> -> memref<200x128xf32, #tpu.memory_space<hbm>>
      %dma_start3A_1228 = tpu.memref_slice %arg3[%multiple_of3A_1222, %multiple_of3A_1226] : memref<1000x16384xf32, #tpu.memory_space<hbm>> -> memref<200x128xf32, #tpu.memory_space<hbm>>
      tpu.enqueue_dma source(%arg6 : memref<200x128xf32, #tpu.memory_space<vmem>>) target(%dma_start3A_1228 : memref<200x128xf32, #tpu.memory_space<hbm>>) target_semaphore(%arg8 : memref<!tpu.dma_semaphore, #tpu.memory_space<semaphore_mem>>)
    }
    %scan3A_260 = arith.constant 9 : i32
    %multiple_of3A_261 = arith.constant 600 : i32
    %multiple_of3A_262 = tpu.assume_multiple %multiple_of3A_261, 8 : i32
    %add3A_263 = arith.constant 384 : i32
    %add3A_264 = arith.addi %mul3A_2, %add3A_263 : i32
    %multiple_of3A_265 = tpu.assume_multiple %add3A_264, 128 : i32
    %dma_wait3A_266 = tpu.memref_slice %arg3[%multiple_of3A_262, %multiple_of3A_265] : memref<1000x16384xf32, #tpu.memory_space<hbm>> -> memref<200x128xf32, #tpu.memory_space<hbm>>
    %dma_wait3A_267 = tpu.memref_slice %arg3[%multiple_of3A_262, %multiple_of3A_265] : memref<1000x16384xf32, #tpu.memory_space<hbm>> -> memref<200x128xf32, #tpu.memory_space<hbm>>
    tpu.wait_dma2 semaphore(%arg7 : memref<!tpu.dma_semaphore, #tpu.memory_space<semaphore_mem>>) src(%arg5 : memref<200x128xf32, #tpu.memory_space<vmem>>) dst(%dma_wait3A_267 : memref<200x128xf32, #tpu.memory_space<hbm>>)
    %multiple_of3A_268 = arith.constant 800 : i32
    %multiple_of3A_269 = tpu.assume_multiple %multiple_of3A_268, 8 : i32
    %add3A_270 = arith.constant 384 : i32
    %add3A_271 = arith.addi %mul3A_2, %add3A_270 : i32
    %multiple_of3A_272 = tpu.assume_multiple %add3A_271, 128 : i32
    %dma_wait3A_273 = tpu.memref_slice %arg3[%multiple_of3A_269, %multiple_of3A_272] : memref<1000x16384xf32, #tpu.memory_space<hbm>> -> memref<200x128xf32, #tpu.memory_space<hbm>>
    %dma_wait3A_274 = tpu.memref_slice %arg3[%multiple_of3A_269, %multiple_of3A_272] : memref<1000x16384xf32, #tpu.memory_space<hbm>> -> memref<200x128xf32, #tpu.memory_space<hbm>>
    tpu.wait_dma2 semaphore(%arg8 : memref<!tpu.dma_semaphore, #tpu.memory_space<semaphore_mem>>) src(%arg6 : memref<200x128xf32, #tpu.memory_space<vmem>>) dst(%dma_wait3A_274 : memref<200x128xf32, #tpu.memory_space<hbm>>)
    return
  }
}

</mosaic_0001>

<sc_bundles>
// kernel: kernel.3.cloned.1.call-start
scs
__scs_entry_jumppad:
0x0: {  	(pc) =	sbr.rel $0x88, $3  }
0x1: {  	(tag) =	ssettag $0x0;
	lr =	simm.s32 $0x1  }
0x2: {  	[smem:$0x3FA0] =	sst lr;
	_ =	strace $0xD0000000  }
0x3: {  	_ = 	snop  }
0x4: {  	_ = 	snop  }
0x5: {  	_ = 	snop  }
0x6: {  	_ = 	snop  }
0x7: {  	_ = 	snop  }
__scs_overlays_trampoline_lowered:
0x8: {  	[smem:$0x3FAF] =	sst s0  }
0x9: {  	[smem:$0x3FB0] =	sst s1  }
0xa: {  	[smem:$0x3FB1] =	sst s2  }
0xb: {  	[smem:$0x3FB2] =	sst s3  }
0xc: {  	[smem:$0x3FB3] =	sst s4  }
0xd: {  	[smem:$0x3FB4] =	sst s5  }
0xe: {  	[smem:$0x3FB5] =	sst s6  }
0xf: {  	[smem:$0x3FB6] =	sst s7  }
0x10: {  	[smem:$0x3FB7] =	sst s8  }
0x11: {  	[smem:$0x3FB8] =	sst s9;
	s0 =	simm.s32 @!p0 $0x0  }
0x12: {  	s1 =	sld [smem:$0x3F9E];
	s0 =	simm.s32 @p0 $0x1  }
0x13: {  	[smem:$0x3FB9] =	sst s0;
	s0 =	simm.s32 @!p1 $0x0  }
0x14: {  	s2 =	sld [smem:$0x3F9D];
	s0 =	simm.s32 @p1 $0x1  }
0x15: {  	[smem:$0x3FBA] =	sst s0;
	s0 =	simm.s32 @!p2 $0x0  }
0x16: {  	s3 =	sld [smem:$0x3FDB];
	s0 =	simm.s32 @p2 $0x1  }
0x17: {  	s4 =	simm.s32 $0x1BF5;
	[smem:$0x3FBC] =	sst s0  }
0x18: {  	s0 =	sld [smem:$0x3F9F];
	_ =	swait.ge [sflag:s4], $0x0  }
0x19: {  	s7 =	sld [smem:$0x3FA0]  }
0x1a: {  	s8 =	sadd.s32 $0xFFFFE003, lr  }
0x1b: {  	s9 =	sadd.s32 $0xFFFFFEF7, lr;
	s5 =	simm.s32 $0xFFFFFFFF;
	p2 =	slt.u32 s8, $0xFFFFF086  }
0x1c: {  	p1 =	slt.u32 s9, $0xF7A;
	s5 =	simm.s32 @!p2 $0x0  }
0x1d: {  	s5 =	simm.s32 @p1 $0x1;
	p0 =	seq.s32 s7, s2  }
0x1e: {  	s7 =	smul.u32 @!p0 $0xF7A, s2;
	p2 =	seq.s32 @!p0 s5, $0x0  }
0x1f: {  	s9 =	smul.u32 $0xF7A, s1;
	s8 =	simm.s32 @!p0 $0x1BF5;
	p2 =	por !p2, p0  }
0x20: {  	[sflag:s8] =	ssyncset.s32 @!p0 $0xFFFFF086;
	s6 =	sadd.s32 @!p0 s3, s7;
	s7 =	simm.s32 @!p0 $0x108  }
0x21: {  	s3 =	sadd.s32 s3, s9;
	s6 =	sadd.s32 @!p0 $0x88, s6;
	s7 =	simm.s32 @p2 $0x1082  }
0x22: {  	[simem:s7], [sflag:s8] =	dma.local @!p0 [hbm:s6], $0xF7A  }
0x23: {  	s9 =	sor.u32 $0xD0000000, s2;
	s6 =	simm.s32 $0x108;
	_ =	swait.ge @!p0 [sflag:s8], $0x0  }
0x24: {  	s3 =	sadd.s32 $0x88, s3;
	s6 =	simm.s32 @!p1 $0x1082;
	[sflag:s4] =	ssyncset.s32 $0xFFFFF086  }
0x25: {  	[simem:s6], [sflag:s4] =	dma.local [hbm:s3], $0xF7A  }
0x26: {  	[smem:$0x3FA0] =	sst s1;
	(tag) =	ssettag s2;
	_ =	strace s9  }
0x27: {  	s1 =	sld [smem:$0x3FB0]  }
0x28: {  	s2 =	sld [smem:$0x3FB1]  }
0x29: {  	s4 =	sld [smem:$0x3FB3]  }
0x2a: {  	p0 =	seq.s32 s5, $0x0;
	s5 =	sld [smem:$0x3FB4]  }
0x2b: {  	s6 =	sld [smem:$0x3FB5]  }
0x2c: {  	s7 =	sld [smem:$0x3FB6]  }
0x2d: {  	s3 =	simm.s32 $0x108;
	s8 =	sld [smem:$0x3FB7]  }
0x2e: {  	s3 =	simm.s32 @!p0 $0x1082;
	s9 =	sld [smem:$0x3FB8]  }
0x2f: {  	lr =	sadd.s32 s0, s3;
	s0 =	sld [smem:$0x3FAF]  }
0x30: {  	s3 =	sld [smem:$0x3FB2]  }
0x31: {  	[smem:$0x3FBB] =	sst s10  }
0x32: {  	s10 =	sld [smem:$0x3FB9];
	_ =	sdelay $0x3  }
0x33: {  	p0 =	seq.s32 s10, $0x1;
	s10 =	sld [smem:$0x3FBB];
	_ =	sdelay $0x3  }
0x34: {  	[smem:$0x3FBB] =	sst s10  }
0x35: {  	s10 =	sld [smem:$0x3FBA];
	_ =	sdelay $0x3  }
0x36: {  	p1 =	seq.s32 s10, $0x1;
	s10 =	sld [smem:$0x3FBB];
	_ =	sdelay $0x3  }
0x37: {  	[smem:$0x3FBB] =	sst s10  }
0x38: {  	s10 =	sld [smem:$0x3FBC]  }
0x39: {  	_ = 	snop;
	(pc) =	sbr.ind lr, $3  }
0x3a: {  	_ = 	snop  }
0x3b: {  	_ = 	snop  }
0x3c: {  	p2 =	seq.s32 s10, $0x1;
	s10 =	sld [smem:$0x3FBB]  }
0x3d: {  	_ =	shalt  }
0x3e: {  	_ =	shalt  }
0x3f: {  	_ =	shalt  }
0x40: {  	_ =	shalt  }
0x41: {  	_ =	shalt  }
0x42: {  	_ =	shalt  }
0x43: {  	_ =	shalt  }
0x44: {  	_ =	shalt  }
0x45: {  	_ =	shalt  }
0x46: {  	_ =	shalt  }
0x47: {  	_ =	shalt  }
0x48: {  	_ =	shalt  }
0x49: {  	_ =	shalt  }
0x4a: {  	_ =	shalt  }
0x4b: {  	_ =	shalt  }
0x4c: {  	_ =	shalt  }
0x4d: {  	_ =	shalt  }
0x4e: {  	_ =	shalt  }
0x4f: {  	_ =	shalt  }
0x50: {  	_ =	shalt  }
0x51: {  	_ =	shalt  }
0x52: {  	_ =	shalt  }
0x53: {  	_ =	shalt  }
0x54: {  	_ =	shalt  }
0x55: {  	_ =	shalt  }
0x56: {  	_ =	shalt  }
0x57: {  	_ =	shalt  }
0x58: {  	_ =	shalt  }
0x59: {  	_ =	shalt  }
0x5a: {  	_ =	shalt  }
0x5b: {  	_ =	shalt  }
0x5c: {  	_ =	shalt  }
0x5d: {  	_ =	shalt  }
0x5e: {  	_ =	shalt  }
0x5f: {  	_ =	shalt  }
0x60: {  	_ =	shalt  }
0x61: {  	_ =	shalt  }
0x62: {  	_ =	shalt  }
0x63: {  	_ =	shalt  }
0x64: {  	_ =	shalt  }
0x65: {  	_ =	shalt  }
0x66: {  	_ =	shalt  }
0x67: {  	_ =	shalt  }
0x68: {  	_ =	shalt  }
0x69: {  	_ =	shalt  }
0x6a: {  	_ =	shalt  }
0x6b: {  	_ =	shalt  }
0x6c: {  	_ =	shalt  }
0x6d: {  	_ =	shalt  }
0x6e: {  	_ =	shalt  }
0x6f: {  	_ =	shalt  }
0x70: {  	_ =	shalt  }
0x71: {  	_ =	shalt  }
0x72: {  	_ =	shalt  }
0x73: {  	_ =	shalt  }
0x74: {  	_ =	shalt  }
0x75: {  	_ =	shalt  }
0x76: {  	_ =	shalt  }
0x77: {  	_ =	shalt  }
0x78: {  	_ =	shalt  }
0x79: {  	_ =	shalt  }
0x7a: {  	_ =	shalt  }
0x7b: {  	_ =	shalt  }
0x7c: {  	_ =	shalt  }
0x7d: {  	_ =	shalt  }
0x7e: {  	_ =	shalt  }
0x7f: {  	_ =	shalt  }
0x80: {  	_ =	shalt  }
0x81: {  	_ =	shalt  }
0x82: {  	_ =	shalt  }
0x83: {  	_ =	shalt  }
0x84: {  	_ =	shalt  }
0x85: {  	_ =	shalt  }
0x86: {  	_ =	shalt  }
0x87: {  	_ =	shalt  }
.Lfunc_end0:
.L_simem_size_0:
called_computation_lowered:
.L_overlay_start_0:
0x88: {  	s2 =	sld [smem:$0x3FD9]  }
0x89: {  	s3 =	sld [smem:$0x3FFE];
	_ =	sdelay $0x1  }
0x8a: {  	s1 =	srdreg.scid  }
0x8b: {  	s0 =	sand.u32 $0x1, s1  }
0x8c: {  	s18 =	sshll.u32 s0, $0xA;
	s2 =	sadd.s32 s3, s2  }
0x8d: {  	s2 =	sadd.s32 s2, s18  }
0x8e: {  	[smem:$0x3FC7] =	sst s2  }
0x8f: {  	_ = 	snop  }
0x90: {  	s2 =	sld [smem:$0x3FC9]  }
0x91: {  	s19 =	sld [smem:$0x3FD0];
	(tm) =	ssettm $0x1  }
0x92: {  	s4 =	sld [smem:$0x3FFB];
	_ =	sdelay $0x3  }
0x93: {  	_ =	strace s4  }
0x94: {  	s4 =	sld [smem:$0x3FFC];
	_ =	sdelay $0x3  }
0x95: {  	_ =	strace s4  }
0x96: {  	s4 =	sld [smem:$0x3FFD];
	_ =	sdelay $0x3  }
0x97: {  	_ =	strace s4  }
0x98: {  	_ =	strace $0x8FFFFFFF  }
0x99: {  	s20 =	sld [smem:$0x3FDB];
	_ =	sdelay $0x1  }
0x9a: {  	s5 =	simm.s32 $_scs_section_size  }
0x9b: {  	s6 =	simm.s32 $_size__tile_overlayer_lowered;
	s7 =	simm.s32 $_tile_overlayer_lowered  }
0x9c: {  	s23 =	simm.s32 $0x1BFF;
	s22 =	sshll.u32 s7, $0x1;
	s4 =	sadd.s32 s5, s20  }
0x9d: {  	s8 =	simm.s32 $0x0;
	s21 =	sshll.u32 s6, $0x1;
	s6 =	sadd.s32 s22, s4  }
0x9e: {  	[timem:s8], [sflag:s23] =	dma.local [hbm:s6], s21  }
0x9f: {  	_ =	swait.ge [sflag:s23], s21  }
0xa0: {  	s5 =	ssub.s32 $0x0, s21;
	[sflag:s23] =	ssyncset.done $0x0  }
0xa1: {  	[sflag:s23] =	ssyncadd.s32 s5;
	_ =	sdelay $0x1  }
0xa2: {  	s24 =	simm.s32 $0x1B8B  }
0xa3: {  	_ =	swait.ge [sflag:s24], $0x1  }
0xa4: {  	[sflag:s24] =	ssyncset.done $0x0  }
0xa5: {  	s25 =	simm.s32 $0x1B8E;
	[sflag:s24] =	ssyncadd.s32 $0xFFFFFFFF  }
0xa6: {  	s26 =	simm.s32 $execute0_lowered;
	[smem:$0x3FD2] =	sst s25  }
0xa7: {  	s5 =	sshll.u32 s26, $0x1;
	_ =	strace $0x80000046;
	[dreg:$0x1] =	wrdreg $0xFFFFFFFF  }
0xa8: {  	s28 =	simm.s32 $_size_execute0_lowered;
	s4 =	sadd.s32 s4, s5;
	[dreg:$0x0] =	wrdreg $0x0  }
0xa9: {  	s5 =	sshll.u32 s28, $0x1;
	[dreg:$0x2] =	wrdreg s4  }
0xaa: {  	[dreg:$0x3] =	wrdreg s5  }
0xab: {  	[dreg:$0x4] =	wrdreg $0xC0  }
0xac: {  	_ =	task [dreg:s8], $0x5FFFF  }
0xad: {  	[dreg:$0x1] =	wrdreg $0xFFFFFFFF  }
0xae: {  	[dreg:$0x0] =	wrdreg $0x60  }
0xaf: {  	[dreg:$0x2] =	wrdreg s2  }
0xb0: {  	[dreg:$0x3] =	wrdreg s19  }
0xb1: {  	[dreg:$0x4] =	wrdreg $0x9  }
0xb2: {  	_ =	task.clear_ibuf [dreg:s8], $0x5FFFF;
	_ =	strace $0x90000046  }
0xb3: {  	s29 =	simm.s32 $0x9;
	_ =	strace $0x80000048  }
0xb4: {  	_ =	swait.ge [sflag:s29], $0x1  }
0xb5: {  	[sflag:s29] =	ssyncadd.s32 $0xFFFFFFFF  }
0xb6: {  	_ =	strace $0x90000048  }
0xb7: {  	_ =	sfence  }
0xb8: {  	s30 =	sld [smem:$0x0];
	_ =	sdelay $0x2  }
0xb9: {  	s31 =	sshll.u32 s1, $0xD;
	s1 =	sshrl.u32 s1, $0x2  }
0xba: {  	s3 =	sand.u32 $0x4000, s31;
	s1 =	sadd.s32 s1, s30  }
0xbb: {  	s0 =	sor.u32 s3, s0;
	s1 =	sshll.u32 s1, $0x11  }
0xbc: {  	s0 =	sor.u32 s1, s0  }
0xbd: {  	s0 =	sadd.s32 $0x8F2B, s0  }
0xbe: {  	[sflag:s0] =	ssyncadd.remote.s32 $0x1  }
0xbf: {  	_ =	sfence.sel $0xFFFF  }
0xc0: {  	[dreg:$0x0] =	wrdreg $0xFFFFFFFF;
	(pc) =	sbr.abs _section_cstart, $3  }
0xc1: {  	[dreg:$0x1] =	wrdreg $0xFFFFFFFF  }
0xc2: {  	_ =	task.clear_ibuf [dreg:s8], $0x2FFFF;
	_ =	strace $0x9FFFFFFF  }
0xc3: {  	(tm) =	ssettm $0x7FFFFFFF  }
tec
execute0_lowered:
.L_overlay_start_1:
0x0: {  	(tag) =	ssettag $0x1  }
0x1: {  	s5 =	rddreg [dreg:$0x0]  }
0x2: {  	s2 =	rddreg [dreg:$0x1]  }
0x3: {  	s0 =	rddreg [dreg:$0x2];
	s4 =	srdreg.scid  }
0x4: {  	s3 =	simm.s32 $0x0;
	s1 =	stileid.u32;
	s10 =	simm.s32 $0x200  }
0x5: {  	s11 =	simm.s32 $0x400;
	s12 =	simm.s32 $0x20000;
	s13 =	simm.s32 $0x6600  }
0x6: {  	v0 =	vimm.f32 $0.0e+00;
	v1 =	vlaneseq.u32;
	v2 =	vimm.f32 $1.000000000e+00;
	s14 =	simm.s32 $0x2;
	s15 =	simm.s32 $0x0;
	s4 =	sand.u32 $0x1, s4  }
0x7: {  	[smem:$0x7FF] =	sst s3;
	s6 =	sshll.u32 s1, $0xA;
	v3 =	vor.u32 $0x10, v1;
	v4 =	vor.u32 $0x20, v1;
	v5 =	vor.u32 $0x30, v1;
	s7 =	sshll.u32 s4, $0x9  }
0x8: {  	v6 =	vor.u32 $0x40, v1;
	v7 =	vor.u32 $0x50, v1;
	v8 =	vor.u32 $0x60, v1;
	_ =	strace $0x80000047;
	s8 =	ssub.s32 $0x2, s4;
	s7 =	sor.u32 s7, s6  }
0x9: {  	v9 =	vor.u32 $0x70, v1;
	v10 =	vor.u32 $0xFFFF9C00, v1;
	v11 =	vor.u32 $0xFFFF9C10, v1;
	s31 =	sshrl.u32 s8, $0x1;
	s9 =	sshrl.u32 s7, $0x3;
	s4 =	sadd.s32 s2, s7  }
0xa: {  	v12 =	vor.u32 $0xFFFF9C20, v1;
	v13 =	vor.u32 $0xFFFF9C30, v1;
	v14 =	vor.u32 $0xFFFF9C40, v1;
	s8 =	ssub.s32 s8, s31;
	s7 =	sshrl.u32 s7, $0x7;
	s5 =	sadd.s32 s5, s9  }
0xb: {  	v15 =	vor.u32 $0xFFFF9C50, v1;
	v16 =	vor.u32 $0xFFFF9C60, v1;
	v17 =	vor.u32 $0xFFFF9C70, v1;
	s6 =	sadd.s32 $0x64000, s4;
	s8 =	smax.u32 s8, $0x1;
	s9 =	simm.s32 $0x1  }
.LBB2_1:
0xc: {  	[tilespmem:s3], [sflag:$0x1] =	stream.linear.gather [hbm4b:s5+s3], $0x200, $0x38;
	[tilespmem:$0xCA00] =	vst v63  }
0xd: {  	s16 =	simm.s32 $0x0;
	s17 =	simm.s32 $0x800  }
.LBB2_2:
0xe: {  	p0 =	sne.s32 s17, $0x18800;
	[tilespmem:s16+$0x3F0] =	vst v0  }
0xf: {  	[tilespmem:s16+$0x200] =	vst v0  }
0x10: {  	[tilespmem:s16+$0x210] =	vst v0  }
0x11: {  	[tilespmem:s16+$0x220] =	vst v0  }
0x12: {  	[tilespmem:s16+$0x230] =	vst v0  }
0x13: {  	[tilespmem:s16+$0x240] =	vst v0  }
0x14: {  	[tilespmem:s16+$0x250] =	vst v0  }
0x15: {  	[tilespmem:s16+$0x260] =	vst v0  }
0x16: {  	[tilespmem:s16+$0x270] =	vst v0  }
0x17: {  	[tilespmem:s16+$0x280] =	vst v0  }
0x18: {  	[tilespmem:s16+$0x290] =	vst v0  }
0x19: {  	[tilespmem:s16+$0x2A0] =	vst v0  }
0x1a: {  	[tilespmem:s16+$0x2B0] =	vst v0  }
0x1b: {  	[tilespmem:s16+$0x2C0] =	vst v0  }
0x1c: {  	[tilespmem:s16+$0x2D0] =	vst v0  }
0x1d: {  	[tilespmem:s16+$0x2E0] =	vst v0  }
0x1e: {  	[tilespmem:s16+$0x2F0] =	vst v0  }
0x1f: {  	[tilespmem:s16+$0x300] =	vst v0  }
0x20: {  	[tilespmem:s16+$0x310] =	vst v0  }
0x21: {  	[tilespmem:s16+$0x320] =	vst v0  }
0x22: {  	[tilespmem:s16+$0x330] =	vst v0  }
0x23: {  	[tilespmem:s16+$0x340] =	vst v0  }
0x24: {  	[tilespmem:s16+$0x350] =	vst v0  }
0x25: {  	[tilespmem:s16+$0x360] =	vst v0  }
0x26: {  	[tilespmem:s16+$0x370] =	vst v0  }
0x27: {  	[tilespmem:s16+$0x380] =	vst v0  }
0x28: {  	[tilespmem:s16+$0x390] =	vst v0  }
.Ltmp0:
0x29: {  	[tilespmem:s16+$0x3A0] =	vst v0;
	(pc) =	sbr.rel @p0 .LBB2_2-.Ltmp0, $4  }
0x2a: {  	[tilespmem:s16+$0x3B0] =	vst v0  }
0x2b: {  	[tilespmem:s16+$0x3C0] =	vst v0  }
0x2c: {  	[tilespmem:s16+$0x3D0] =	vst v0  }
0x2d: {  	[tilespmem:s16+$0x3E0] =	vst v0;
	s16 =	sshra.s32 s17, $0x2;
	s17 =	sadd.s32 $0x800, s17  }
0x2e: {  	[tilespmem:s16+$0x3F0] =	vst v0  }
0x2f: {  	[tilespmem:s16+$0x200] =	vst v0  }
0x30: {  	[tilespmem:s16+$0x210] =	vst v0  }
0x31: {  	[tilespmem:s16+$0x220] =	vst v0  }
0x32: {  	[tilespmem:s16+$0x230] =	vst v0  }
0x33: {  	[tilespmem:s16+$0x240] =	vst v0  }
0x34: {  	[tilespmem:s16+$0x250] =	vst v0  }
0x35: {  	[tilespmem:s16+$0x260] =	vst v0  }
0x36: {  	[tilespmem:s16+$0x270] =	vst v0  }
0x37: {  	[tilespmem:s16+$0x280] =	vst v0  }
0x38: {  	[tilespmem:s16+$0x290] =	vst v0  }
0x39: {  	[tilespmem:s16+$0x2A0] =	vst v0  }
0x3a: {  	[tilespmem:s16+$0x2B0] =	vst v0  }
0x3b: {  	[tilespmem:s16+$0x2C0] =	vst v0  }
0x3c: {  	[tilespmem:s16+$0x2D0] =	vst v0  }
0x3d: {  	[tilespmem:s16+$0x2E0] =	vst v0  }
0x3e: {  	[tilespmem:s16+$0x2F0] =	vst v0  }
0x3f: {  	[tilespmem:s16+$0x300] =	vst v0  }
0x40: {  	[tilespmem:s16+$0x310] =	vst v0  }
0x41: {  	[tilespmem:s16+$0x320] =	vst v0  }
0x42: {  	[tilespmem:s16+$0x330] =	vst v0  }
0x43: {  	[tilespmem:s16+$0x340] =	vst v0  }
0x44: {  	[tilespmem:s16+$0x350] =	vst v0  }
0x45: {  	[tilespmem:s16+$0x360] =	vst v0  }
0x46: {  	[tilespmem:s16+$0x370] =	vst v0  }
0x47: {  	[tilespmem:s16+$0x380] =	vst v0  }
0x48: {  	[tilespmem:s16+$0x390] =	vst v0  }
0x49: {  	[tilespmem:s16+$0x3A0] =	vst v0  }
0x4a: {  	[tilespmem:s16+$0x3B0] =	vst v0  }
0x4b: {  	[tilespmem:s16+$0x3C0] =	vst v0  }
0x4c: {  	[tilespmem:s16+$0x3D0] =	vst v0  }
0x4d: {  	[tilespmem:s16+$0x3E0] =	vst v0  }
0x4e: {  	_ =	swait.ge [sflag:s9], $0x200  }
0x4f: {  	[sflag:s9] =	ssyncset.done $0x0  }
0x50: {  	[sflag:s9] =	ssyncadd.s32 $0xFFFFFE00  }
0x51: {  	v18 =	vld [tilespmem:$0x0];
	_ =	sdelay $0x4  }
0x52: {  	vm0 =	vlt.u32 v18, $0xC8;
	v18 =	vshll.u32 v18, $0x7  }
0x53: {  	v18 =	vor.u32 v1, v18;
	_ =	sdelay $0x4  }
0x54: {  	[tilespmem:v18+s10+$0x0] =	vst.idx.msk vm0, v2  }
0x55: {  	v18 =	vld [tilespmem:$0x10];
	_ =	sdelay $0x4  }
0x56: {  	vm9 =	vlt.u32 v18, $0xC8;
	v18 =	vshll.u32 v18, $0x7  }
0x57: {  	v18 =	vor.u32 v3, v18;
	_ =	sdelay $0x4  }
0x58: {  	[tilespmem:v18+s10+$0x0] =	vst.idx.msk vm9, v2  }
0x59: {  	v18 =	vld [tilespmem:$0x20];
	_ =	sdelay $0x4  }
0x5a: {  	vm10 =	vlt.u32 v18, $0xC8;
	v18 =	vshll.u32 v18, $0x7  }
0x5b: {  	v18 =	vor.u32 v4, v18;
	_ =	sdelay $0x4  }
0x5c: {  	[tilespmem:v18+s10+$0x0] =	vst.idx.msk vm10, v2  }
0x5d: {  	v18 =	vld [tilespmem:$0x30];
	_ =	sdelay $0x4  }
0x5e: {  	vm11 =	vlt.u32 v18, $0xC8;
	v18 =	vshll.u32 v18, $0x7  }
0x5f: {  	v18 =	vor.u32 v5, v18;
	_ =	sdelay $0x4  }
0x60: {  	[tilespmem:v18+s10+$0x0] =	vst.idx.msk vm11, v2  }
0x61: {  	v18 =	vld [tilespmem:$0x40];
	_ =	sdelay $0x4  }
0x62: {  	vm12 =	vlt.u32 v18, $0xC8;
	v18 =	vshll.u32 v18, $0x7  }
0x63: {  	v18 =	vor.u32 v6, v18;
	_ =	sdelay $0x4  }
0x64: {  	[tilespmem:v18+s10+$0x0] =	vst.idx.msk vm12, v2  }
0x65: {  	v18 =	vld [tilespmem:$0x50];
	_ =	sdelay $0x4  }
0x66: {  	vm13 =	vlt.u32 v18, $0xC8;
	v18 =	vshll.u32 v18, $0x7  }
0x67: {  	v18 =	vor.u32 v7, v18;
	_ =	sdelay $0x4  }
0x68: {  	[tilespmem:v18+s10+$0x0] =	vst.idx.msk vm13, v2  }
0x69: {  	v18 =	vld [tilespmem:$0x60];
	_ =	sdelay $0x4  }
0x6a: {  	vm14 =	vlt.u32 v18, $0xC8;
	v18 =	vshll.u32 v18, $0x7  }
0x6b: {  	v18 =	vor.u32 v8, v18;
	_ =	sdelay $0x4  }
0x6c: {  	[tilespmem:v18+s10+$0x0] =	vst.idx.msk vm14, v2  }
0x6d: {  	v18 =	vld [tilespmem:$0x70];
	_ =	sdelay $0x4  }
0x6e: {  	vm15 =	vlt.u32 v18, $0xC8;
	v18 =	vshll.u32 v18, $0x7  }
0x6f: {  	v18 =	vor.u32 v9, v18;
	_ =	sdelay $0x4  }
0x70: {  	s16 =	simm.s32 $0x0;
	s17 =	simm.s32 $0x800;
	[tilespmem:v18+s10+$0x0] =	vst.idx.msk vm15, v2  }
0x71: {  	[hbm4b:s4+s11] =	stream.strided.scatter [tilespmem:s10], [sflag:$0x1], $0x6400, s12, s11, $0x38;
	[tilespmem:$0xCA00] =	vst v63  }
.LBB2_4:
0x72: {  	p0 =	sne.s32 s17, $0x18800;
	[tilespmem:s16+$0x67F0] =	vst v0  }
0x73: {  	[tilespmem:s16+$0x6600] =	vst v0  }
0x74: {  	[tilespmem:s16+$0x6610] =	vst v0  }
0x75: {  	[tilespmem:s16+$0x6620] =	vst v0  }
0x76: {  	[tilespmem:s16+$0x6630] =	vst v0  }
0x77: {  	[tilespmem:s16+$0x6640] =	vst v0  }
0x78: {  	[tilespmem:s16+$0x6650] =	vst v0  }
0x79: {  	[tilespmem:s16+$0x6660] =	vst v0  }
0x7a: {  	[tilespmem:s16+$0x6670] =	vst v0  }
0x7b: {  	[tilespmem:s16+$0x6680] =	vst v0  }
0x7c: {  	[tilespmem:s16+$0x6690] =	vst v0  }
0x7d: {  	[tilespmem:s16+$0x66A0] =	vst v0  }
0x7e: {  	[tilespmem:s16+$0x66B0] =	vst v0  }
0x7f: {  	[tilespmem:s16+$0x66C0] =	vst v0  }
0x80: {  	[tilespmem:s16+$0x66D0] =	vst v0  }
0x81: {  	[tilespmem:s16+$0x66E0] =	vst v0  }
0x82: {  	[tilespmem:s16+$0x66F0] =	vst v0  }
0x83: {  	[tilespmem:s16+$0x6700] =	vst v0  }
0x84: {  	[tilespmem:s16+$0x6710] =	vst v0  }
0x85: {  	[tilespmem:s16+$0x6720] =	vst v0  }
0x86: {  	[tilespmem:s16+$0x6730] =	vst v0  }
0x87: {  	[tilespmem:s16+$0x6740] =	vst v0  }
0x88: {  	[tilespmem:s16+$0x6750] =	vst v0  }
0x89: {  	[tilespmem:s16+$0x6760] =	vst v0  }
0x8a: {  	[tilespmem:s16+$0x6770] =	vst v0  }
0x8b: {  	[tilespmem:s16+$0x6780] =	vst v0  }
0x8c: {  	[tilespmem:s16+$0x6790] =	vst v0  }
.Ltmp1:
0x8d: {  	[tilespmem:s16+$0x67A0] =	vst v0;
	(pc) =	sbr.rel @p0 .LBB2_4-.Ltmp1, $4  }
0x8e: {  	[tilespmem:s16+$0x67B0] =	vst v0  }
0x8f: {  	[tilespmem:s16+$0x67C0] =	vst v0  }
0x90: {  	[tilespmem:s16+$0x67D0] =	vst v0  }
0x91: {  	[tilespmem:s16+$0x67E0] =	vst v0;
	s16 =	sshra.s32 s17, $0x2;
	s17 =	sadd.s32 $0x800, s17  }
0x92: {  	[tilespmem:s16+$0x67F0] =	vst v0  }
0x93: {  	[tilespmem:s16+$0x6600] =	vst v0  }
0x94: {  	[tilespmem:s16+$0x6610] =	vst v0  }
0x95: {  	[tilespmem:s16+$0x6620] =	vst v0  }
0x96: {  	[tilespmem:s16+$0x6630] =	vst v0  }
0x97: {  	[tilespmem:s16+$0x6640] =	vst v0  }
0x98: {  	[tilespmem:s16+$0x6650] =	vst v0  }
0x99: {  	[tilespmem:s16+$0x6660] =	vst v0  }
0x9a: {  	[tilespmem:s16+$0x6670] =	vst v0  }
0x9b: {  	[tilespmem:s16+$0x6680] =	vst v0  }
0x9c: {  	[tilespmem:s16+$0x6690] =	vst v0  }
0x9d: {  	[tilespmem:s16+$0x66A0] =	vst v0  }
0x9e: {  	[tilespmem:s16+$0x66B0] =	vst v0  }
0x9f: {  	[tilespmem:s16+$0x66C0] =	vst v0  }
0xa0: {  	[tilespmem:s16+$0x66D0] =	vst v0  }
0xa1: {  	[tilespmem:s16+$0x66E0] =	vst v0  }
0xa2: {  	[tilespmem:s16+$0x66F0] =	vst v0  }
0xa3: {  	[tilespmem:s16+$0x6700] =	vst v0  }
0xa4: {  	[tilespmem:s16+$0x6710] =	vst v0  }
0xa5: {  	[tilespmem:s16+$0x6720] =	vst v0  }
0xa6: {  	[tilespmem:s16+$0x6730] =	vst v0  }
0xa7: {  	[tilespmem:s16+$0x6740] =	vst v0  }
0xa8: {  	[tilespmem:s16+$0x6750] =	vst v0  }
0xa9: {  	[tilespmem:s16+$0x6760] =	vst v0  }
0xaa: {  	[tilespmem:s16+$0x6770] =	vst v0  }
0xab: {  	[tilespmem:s16+$0x6780] =	vst v0  }
0xac: {  	[tilespmem:s16+$0x6790] =	vst v0  }
0xad: {  	[tilespmem:s16+$0x67A0] =	vst v0  }
0xae: {  	[tilespmem:s16+$0x67B0] =	vst v0  }
0xaf: {  	[tilespmem:s16+$0x67C0] =	vst v0  }
0xb0: {  	[tilespmem:s16+$0x67D0] =	vst v0  }
0xb1: {  	[tilespmem:s16+$0x67E0] =	vst v0  }
0xb2: {  	v18 =	vld [tilespmem:$0x0];
	_ =	sdelay $0x4  }
0xb3: {  	v19 =	vadd.s32 $0xFFFFFF38, v18  }
0xb4: {  	v18 =	vshll.u32 v18, $0x7;
	vm0 =	vlt.u32 v19, $0xC8  }
0xb5: {  	v18 =	vadd.s32 v10, v18;
	_ =	sdelay $0x4  }
0xb6: {  	[tilespmem:v18+s13+$0x0] =	vst.idx.msk vm0, v2  }
0xb7: {  	v18 =	vld [tilespmem:$0x10];
	_ =	sdelay $0x4  }
0xb8: {  	v19 =	vadd.s32 $0xFFFFFF38, v18  }
0xb9: {  	v18 =	vshll.u32 v18, $0x7;
	vm9 =	vlt.u32 v19, $0xC8  }
0xba: {  	v18 =	vadd.s32 v11, v18;
	_ =	sdelay $0x4  }
0xbb: {  	[tilespmem:v18+s13+$0x0] =	vst.idx.msk vm9, v2  }
0xbc: {  	v18 =	vld [tilespmem:$0x20];
	_ =	sdelay $0x4  }
0xbd: {  	v19 =	vadd.s32 $0xFFFFFF38, v18  }
0xbe: {  	v18 =	vshll.u32 v18, $0x7;
	vm10 =	vlt.u32 v19, $0xC8  }
0xbf: {  	v18 =	vadd.s32 v12, v18;
	_ =	sdelay $0x4  }
0xc0: {  	[tilespmem:v18+s13+$0x0] =	vst.idx.msk vm10, v2  }
0xc1: {  	v18 =	vld [tilespmem:$0x30];
	_ =	sdelay $0x4  }
0xc2: {  	v19 =	vadd.s32 $0xFFFFFF38, v18  }
0xc3: {  	v18 =	vshll.u32 v18, $0x7;
	vm11 =	vlt.u32 v19, $0xC8  }
0xc4: {  	v18 =	vadd.s32 v13, v18;
	_ =	sdelay $0x4  }
0xc5: {  	[tilespmem:v18+s13+$0x0] =	vst.idx.msk vm11, v2  }
0xc6: {  	v18 =	vld [tilespmem:$0x40];
	_ =	sdelay $0x4  }
0xc7: {  	v19 =	vadd.s32 $0xFFFFFF38, v18  }
0xc8: {  	v18 =	vshll.u32 v18, $0x7;
	vm12 =	vlt.u32 v19, $0xC8  }
0xc9: {  	v18 =	vadd.s32 v14, v18;
	_ =	sdelay $0x4  }
0xca: {  	[tilespmem:v18+s13+$0x0] =	vst.idx.msk vm12, v2  }
0xcb: {  	v18 =	vld [tilespmem:$0x50];
	_ =	sdelay $0x4  }
0xcc: {  	v19 =	vadd.s32 $0xFFFFFF38, v18  }
0xcd: {  	v18 =	vshll.u32 v18, $0x7;
	vm13 =	vlt.u32 v19, $0xC8  }
0xce: {  	v18 =	vadd.s32 v15, v18;
	_ =	sdelay $0x4  }
0xcf: {  	[tilespmem:v18+s13+$0x0] =	vst.idx.msk vm13, v2  }
0xd0: {  	v18 =	vld [tilespmem:$0x60];
	_ =	sdelay $0x4  }
0xd1: {  	v19 =	vadd.s32 $0xFFFFFF38, v18  }
0xd2: {  	v18 =	vshll.u32 v18, $0x7;
	vm14 =	vlt.u32 v19, $0xC8  }
0xd3: {  	v18 =	vadd.s32 v16, v18;
	_ =	sdelay $0x4  }
0xd4: {  	[tilespmem:v18+s13+$0x0] =	vst.idx.msk vm14, v2  }
0xd5: {  	v18 =	vld [tilespmem:$0x70];
	_ =	sdelay $0x4  }
0xd6: {  	v19 =	vadd.s32 $0xFFFFFF38, v18  }
0xd7: {  	v18 =	vshll.u32 v18, $0x7;
	vm15 =	vlt.u32 v19, $0xC8  }
0xd8: {  	v18 =	vadd.s32 v17, v18;
	_ =	sdelay $0x4  }
0xd9: {  	s16 =	simm.s32 $0x1;
	[tilespmem:v18+s13+$0x0] =	vst.idx.msk vm15, v2  }
0xda: {  	[hbm4b:s6+s11] =	stream.strided.scatter [tilespmem:s13], [sflag:$0x2], $0x6400, s12, s11, $0x38;
	[tilespmem:$0xCA00] =	vst v63  }
.LBB2_6:
0xdb: {  	s17 =	sshll.u32 s16, $0x1  }
0xdc: {  	s18 =	sadd.s32 $0xFFFFFFFE, s17  }
0xdd: {  	s19 =	sshll.u32 s18, $0x18  }
0xde: {  	s19 =	sshra.s32 s19, $0x18  }
0xdf: {  	s19 =	smul.u32 $0x67, s19;
	_ =	sdelay $0x1  }
0xe0: {  	s20 =	sshrl.u32 s19, $0x1F;
	s19 =	sshra.s32 s19, $0x9  }
0xe1: {  	s19 =	sadd.s32 s20, s19  }
0xe2: {  	s20 =	smul.u32 $0xFFFFFFFB, s19;
	_ =	sdelay $0x1  }
0xe3: {  	s18 =	sadd.s32 s18, s20  }
0xe4: {  	s20 =	sand.u32 $0xFF, s18  }
0xe5: {  	p0 =	slt.u32 s16, $0x2;
	p1 =	sne.s32 s20, $0x0  }
0xe6: {  	p0 =	por !p0, !p1  }
0xe7: {  	s20 =	simm.s32 $0x1;
	p0 =	por !p0, !p0  }
0xe8: {  	s20 =	simm.s32 @!p0 $0x0  }
0xe9: {  	_ =	swait.ge [sflag:s9], $0x6400;
	s19 =	ssub.s32 s19, s20  }
0xea: {  	[sflag:s9] =	ssyncset.done $0x0;
	s18 =	sshll.u32 s18, $0x18;
	s19 =	sshll.u32 s19, $0x9  }
0xeb: {  	[sflag:s9] =	ssyncadd.s32 $0xFFFF9C00;
	s20 =	sshra.s32 s18, $0x18;
	s28 =	sshra.s32 s19, $0x2  }
0xec: {  	p0 =	slt.s32 s20, $0x0;
	s19 =	sadd.s32 $0x5, s20;
	v18 =	vld [tilespmem:s28+$0x0]  }
0xed: {  	s20 =	smov.u32 @p0 s19  }
0xee: {  	s19 =	smul.u32 $0xC8, s20;
	_ =	sdelay $0x1  }
0xef: {  	v19 =	vmov s19;
	s20 =	sadd.s32 $0xC8, s19  }
0xf0: {  	vm0 =	vge.s32 v18, s19;
	vm1 =	vlt.s32 v18, s20;
	v18 =	vsub.s32 v18, v19  }
0xf1: {  	vm0 =	vmand vm0, vm1;
	v18 =	vshll.u32 v18, $0x7  }
0xf2: {  	v18 =	vor.u32 v1, v18;
	_ =	sdelay $0x4  }
0xf3: {  	[tilespmem:v18+s10+$0x0] =	vst.idx.msk vm0, v0  }
0xf4: {  	v18 =	vld [tilespmem:s28+$0x10];
	_ =	sdelay $0x4  }
0xf5: {  	vm14 =	vge.s32 v18, s19;
	vm15 =	vlt.s32 v18, s20;
	v18 =	vsub.s32 v18, v19  }
0xf6: {  	vm0 =	vmand vm14, vm15;
	v18 =	vshll.u32 v18, $0x7  }
0xf7: {  	v18 =	vor.u32 v3, v18;
	_ =	sdelay $0x4  }
0xf8: {  	[tilespmem:v18+s10+$0x0] =	vst.idx.msk vm0, v0  }
0xf9: {  	v18 =	vld [tilespmem:s28+$0x20];
	_ =	sdelay $0x4  }
0xfa: {  	vm4 =	vge.s32 v18, s19;
	vm5 =	vlt.s32 v18, s20;
	v18 =	vsub.s32 v18, v19  }
0xfb: {  	vm0 =	vmand vm4, vm5;
	v18 =	vshll.u32 v18, $0x7  }
0xfc: {  	v18 =	vor.u32 v4, v18;
	_ =	sdelay $0x4  }
0xfd: {  	[tilespmem:v18+s10+$0x0] =	vst.idx.msk vm0, v0  }
0xfe: {  	v18 =	vld [tilespmem:s28+$0x30];
	_ =	sdelay $0x4  }
0xff: {  	vm6 =	vge.s32 v18, s19;
	vm7 =	vlt.s32 v18, s20;
	v18 =	vsub.s32 v18, v19  }
0x100: {  	vm0 =	vmand vm6, vm7;
	v18 =	vshll.u32 v18, $0x7  }
0x101: {  	v18 =	vor.u32 v5, v18;
	_ =	sdelay $0x4  }
0x102: {  	[tilespmem:v18+s10+$0x0] =	vst.idx.msk vm0, v0  }
0x103: {  	v18 =	vld [tilespmem:s28+$0x40];
	_ =	sdelay $0x4  }
0x104: {  	vm8 =	vge.s32 v18, s19;
	vm9 =	vlt.s32 v18, s20;
	v18 =	vsub.s32 v18, v19  }
0x105: {  	vm0 =	vmand vm8, vm9;
	v18 =	vshll.u32 v18, $0x7  }
0x106: {  	v18 =	vor.u32 v6, v18;
	_ =	sdelay $0x4  }
0x107: {  	[tilespmem:v18+s10+$0x0] =	vst.idx.msk vm0, v0  }
0x108: {  	v18 =	vld [tilespmem:s28+$0x50];
	_ =	sdelay $0x4  }
0x109: {  	vm10 =	vge.s32 v18, s19;
	vm11 =	vlt.s32 v18, s20;
	v18 =	vsub.s32 v18, v19  }
0x10a: {  	vm0 =	vmand vm10, vm11;
	v18 =	vshll.u32 v18, $0x7  }
0x10b: {  	v18 =	vor.u32 v7, v18;
	_ =	sdelay $0x4  }
0x10c: {  	[tilespmem:v18+s10+$0x0] =	vst.idx.msk vm0, v0  }
0x10d: {  	v18 =	vld [tilespmem:s28+$0x60];
	_ =	sdelay $0x4  }
0x10e: {  	vm12 =	vge.s32 v18, s19;
	vm13 =	vlt.s32 v18, s20;
	v18 =	vsub.s32 v18, v19  }
0x10f: {  	vm0 =	vmand vm12, vm13;
	v18 =	vshll.u32 v18, $0x7  }
0x110: {  	v18 =	vor.u32 v8, v18;
	_ =	sdelay $0x4  }
0x111: {  	[tilespmem:v18+s10+$0x0] =	vst.idx.msk vm0, v0  }
0x112: {  	v18 =	vld [tilespmem:s28+$0x70];
	_ =	sdelay $0x4  }
0x113: {  	vm14 =	vge.s32 v18, s19;
	vm15 =	vlt.s32 v18, s20;
	v18 =	vsub.s32 v18, v19  }
0x114: {  	vm0 =	vmand vm14, vm15;
	v18 =	vshll.u32 v18, $0x7  }
0x115: {  	s29 =	sand.u32 $0xFE, s17;
	v18 =	vor.u32 v9, v18  }
0x116: {  	s18 =	smul.u32 $0xCD, s29;
	_ =	sdelay $0x1  }
0x117: {  	s18 =	sshrl.u32 s18, $0xA  }
0x118: {  	s30 =	smul.u32 $0x5, s18  }
0x119: {  	s31 =	sshll.u32 s18, $0x7;
	[tilespmem:v18+s10+$0x0] =	vst.idx.msk vm0, v0  }
0x11a: {  	s19 =	ssub.s32 s17, s30;
	v18 =	vld [tilespmem:s31+$0x0]  }
0x11b: {  	s19 =	sand.u32 $0xFF, s19  }
0x11c: {  	s21 =	smul.u32 $0xC8, s19;
	_ =	sdelay $0x1  }
0x11d: {  	v19 =	vmov s21;
	s22 =	sadd.s32 $0xC8, s21  }
0x11e: {  	vm4 =	vge.s32 v18, s21;
	vm5 =	vlt.s32 v18, s22;
	v18 =	vsub.s32 v18, v19  }
0x11f: {  	vm0 =	vmand vm4, vm5;
	v18 =	vshll.u32 v18, $0x7  }
0x120: {  	v18 =	vor.u32 v1, v18;
	_ =	sdelay $0x4  }
0x121: {  	[tilespmem:v18+s10+$0x0] =	vst.idx.msk vm0, v2  }
0x122: {  	v18 =	vld [tilespmem:s31+$0x10];
	_ =	sdelay $0x4  }
0x123: {  	vm6 =	vge.s32 v18, s21;
	vm7 =	vlt.s32 v18, s22;
	v18 =	vsub.s32 v18, v19  }
0x124: {  	vm0 =	vmand vm6, vm7;
	v18 =	vshll.u32 v18, $0x7  }
0x125: {  	v18 =	vor.u32 v3, v18;
	_ =	sdelay $0x4  }
0x126: {  	[tilespmem:v18+s10+$0x0] =	vst.idx.msk vm0, v2  }
0x127: {  	v18 =	vld [tilespmem:s31+$0x20];
	_ =	sdelay $0x4  }
0x128: {  	vm8 =	vge.s32 v18, s21;
	vm9 =	vlt.s32 v18, s22;
	v18 =	vsub.s32 v18, v19  }
0x129: {  	vm0 =	vmand vm8, vm9;
	v18 =	vshll.u32 v18, $0x7  }
0x12a: {  	v18 =	vor.u32 v4, v18;
	_ =	sdelay $0x4  }
0x12b: {  	[tilespmem:v18+s10+$0x0] =	vst.idx.msk vm0, v2  }
0x12c: {  	v18 =	vld [tilespmem:s31+$0x30];
	_ =	sdelay $0x4  }
0x12d: {  	vm10 =	vge.s32 v18, s21;
	vm11 =	vlt.s32 v18, s22;
	v18 =	vsub.s32 v18, v19  }
0x12e: {  	vm0 =	vmand vm10, vm11;
	v18 =	vshll.u32 v18, $0x7  }
0x12f: {  	v18 =	vor.u32 v5, v18;
	_ =	sdelay $0x4  }
0x130: {  	[tilespmem:v18+s10+$0x0] =	vst.idx.msk vm0, v2  }
0x131: {  	v18 =	vld [tilespmem:s31+$0x40];
	_ =	sdelay $0x4  }
0x132: {  	vm12 =	vge.s32 v18, s21;
	vm13 =	vlt.s32 v18, s22;
	v18 =	vsub.s32 v18, v19  }
0x133: {  	vm0 =	vmand vm12, vm13;
	v18 =	vshll.u32 v18, $0x7  }
0x134: {  	v18 =	vor.u32 v6, v18;
	_ =	sdelay $0x4  }
0x135: {  	[tilespmem:v18+s10+$0x0] =	vst.idx.msk vm0, v2  }
0x136: {  	v18 =	vld [tilespmem:s31+$0x50];
	_ =	sdelay $0x4  }
0x137: {  	vm14 =	vge.s32 v18, s21;
	vm15 =	vlt.s32 v18, s22;
	v18 =	vsub.s32 v18, v19  }
0x138: {  	vm0 =	vmand vm14, vm15;
	v18 =	vshll.u32 v18, $0x7  }
0x139: {  	v18 =	vor.u32 v7, v18;
	_ =	sdelay $0x4  }
0x13a: {  	[tilespmem:v18+s10+$0x0] =	vst.idx.msk vm0, v2  }
0x13b: {  	v18 =	vld [tilespmem:s31+$0x60];
	_ =	sdelay $0x4  }
0x13c: {  	vm4 =	vge.s32 v18, s21;
	vm5 =	vlt.s32 v18, s22;
	v18 =	vsub.s32 v18, v19  }
0x13d: {  	vm0 =	vmand vm4, vm5;
	v18 =	vshll.u32 v18, $0x7  }
0x13e: {  	v18 =	vor.u32 v8, v18;
	_ =	sdelay $0x4  }
0x13f: {  	[tilespmem:v18+s10+$0x0] =	vst.idx.msk vm0, v2  }
0x140: {  	v18 =	vld [tilespmem:s31+$0x70];
	_ =	sdelay $0x4  }
0x141: {  	s17 =	sadd.s32 $0xFFFFFFFF, s17;
	vm6 =	vge.s32 v18, s21;
	vm7 =	vlt.s32 v18, s22;
	v18 =	vsub.s32 v18, v19  }
0x142: {  	s21 =	sshll.u32 s17, $0x18;
	vm0 =	vmand vm6, vm7;
	v18 =	vshll.u32 v18, $0x7  }
0x143: {  	s19 =	smul.u32 $0x320000, s19;
	s20 =	sshra.s32 s21, $0x18;
	v18 =	vor.u32 v9, v18  }
0x144: {  	s18 =	sadd.s32 s18, s7;
	s20 =	smul.u32 $0x67, s20  }
0x145: {  	s18 =	sshll.u32 s18, $0xA  }
0x146: {  	s18 =	sadd.s32 s19, s18;
	s22 =	sshrl.u32 s20, $0x1F;
	s20 =	sshra.s32 s20, $0x9  }
0x147: {  	s18 =	sshrl.u32 s18, $0x3;
	s19 =	sadd.s32 s22, s20  }
0x148: {  	s18 =	sadd.s32 s2, s18;
	s20 =	smul.u32 $0xFFFFFFFB, s19;
	[tilespmem:v18+s10+$0x0] =	vst.idx.msk vm0, v2  }
0x149: {  	[hbm4b:s18+s11] =	stream.strided.scatter [tilespmem:s10], [sflag:$0x1], $0x6400, s12, s11, $0x38;
	[tilespmem:$0xCA00] =	vst v63  }
0x14a: {  	s17 =	sadd.s32 s17, s20;
	_ =	swait.ge [sflag:s14], $0x6400  }
0x14b: {  	s23 =	sshll.u32 s19, $0x7;
	s17 =	sshll.u32 s17, $0x18;
	[sflag:s14] =	ssyncset.done $0x0  }
0x14c: {  	s24 =	sand.u32 $0x3FFFFF80, s23;
	s19 =	sshra.s32 s17, $0x18;
	[sflag:s14] =	ssyncadd.s32 $0xFFFF9C00  }
0x14d: {  	p0 =	slt.s32 s19, $0x0;
	s18 =	sadd.s32 $0x5, s19;
	v18 =	vld [tilespmem:s24+$0x0]  }
0x14e: {  	s19 =	smov.u32 @p0 s18  }
0x14f: {  	s18 =	smul.u32 $0xC8, s19;
	_ =	sdelay $0x1  }
0x150: {  	v19 =	vmov s18;
	s19 =	sadd.s32 $0xC8, s18  }
0x151: {  	vm8 =	vge.s32 v18, s18;
	vm9 =	vlt.s32 v18, s19;
	v18 =	vsub.s32 v18, v19  }
0x152: {  	vm0 =	vmand vm8, vm9;
	v18 =	vshll.u32 v18, $0x7  }
0x153: {  	v18 =	vor.u32 v1, v18;
	_ =	sdelay $0x4  }
0x154: {  	[tilespmem:v18+s13+$0x0] =	vst.idx.msk vm0, v0  }
0x155: {  	v18 =	vld [tilespmem:s24+$0x10];
	_ =	sdelay $0x4  }
0x156: {  	vm10 =	vge.s32 v18, s18;
	vm11 =	vlt.s32 v18, s19;
	v18 =	vsub.s32 v18, v19  }
0x157: {  	vm0 =	vmand vm10, vm11;
	v18 =	vshll.u32 v18, $0x7  }
0x158: {  	v18 =	vor.u32 v3, v18;
	_ =	sdelay $0x4  }
0x159: {  	[tilespmem:v18+s13+$0x0] =	vst.idx.msk vm0, v0  }
0x15a: {  	v18 =	vld [tilespmem:s24+$0x20];
	_ =	sdelay $0x4  }
0x15b: {  	vm12 =	vge.s32 v18, s18;
	vm13 =	vlt.s32 v18, s19;
	v18 =	vsub.s32 v18, v19  }
0x15c: {  	vm0 =	vmand vm12, vm13;
	v18 =	vshll.u32 v18, $0x7  }
0x15d: {  	v18 =	vor.u32 v4, v18;
	_ =	sdelay $0x4  }
0x15e: {  	[tilespmem:v18+s13+$0x0] =	vst.idx.msk vm0, v0  }
0x15f: {  	v18 =	vld [tilespmem:s24+$0x30];
	_ =	sdelay $0x4  }
0x160: {  	vm14 =	vge.s32 v18, s18;
	vm15 =	vlt.s32 v18, s19;
	v18 =	vsub.s32 v18, v19  }
0x161: {  	vm0 =	vmand vm14, vm15;
	v18 =	vshll.u32 v18, $0x7  }
0x162: {  	v18 =	vor.u32 v5, v18;
	_ =	sdelay $0x4  }
0x163: {  	[tilespmem:v18+s13+$0x0] =	vst.idx.msk vm0, v0  }
0x164: {  	v18 =	vld [tilespmem:s24+$0x40];
	_ =	sdelay $0x4  }
0x165: {  	vm4 =	vge.s32 v18, s18;
	vm5 =	vlt.s32 v18, s19;
	v18 =	vsub.s32 v18, v19  }
0x166: {  	vm0 =	vmand vm4, vm5;
	v18 =	vshll.u32 v18, $0x7  }
0x167: {  	v18 =	vor.u32 v6, v18;
	_ =	sdelay $0x4  }
0x168: {  	[tilespmem:v18+s13+$0x0] =	vst.idx.msk vm0, v0  }
0x169: {  	v18 =	vld [tilespmem:s24+$0x50];
	_ =	sdelay $0x4  }
0x16a: {  	vm6 =	vge.s32 v18, s18;
	vm7 =	vlt.s32 v18, s19;
	v18 =	vsub.s32 v18, v19  }
0x16b: {  	vm0 =	vmand vm6, vm7;
	v18 =	vshll.u32 v18, $0x7  }
0x16c: {  	v18 =	vor.u32 v7, v18;
	_ =	sdelay $0x4  }
0x16d: {  	[tilespmem:v18+s13+$0x0] =	vst.idx.msk vm0, v0  }
0x16e: {  	v18 =	vld [tilespmem:s24+$0x60];
	_ =	sdelay $0x4  }
0x16f: {  	vm8 =	vge.s32 v18, s18;
	vm9 =	vlt.s32 v18, s19;
	v18 =	vsub.s32 v18, v19  }
0x170: {  	vm0 =	vmand vm8, vm9;
	v18 =	vshll.u32 v18, $0x7  }
0x171: {  	v18 =	vor.u32 v8, v18;
	_ =	sdelay $0x4  }
0x172: {  	[tilespmem:v18+s13+$0x0] =	vst.idx.msk vm0, v0  }
0x173: {  	v18 =	vld [tilespmem:s24+$0x70];
	_ =	sdelay $0x4  }
0x174: {  	vm10 =	vge.s32 v18, s18;
	vm11 =	vlt.s32 v18, s19;
	v18 =	vsub.s32 v18, v19  }
0x175: {  	s25 =	sshllo.u32 s16, $0x1;
	vm0 =	vmand vm10, vm11;
	v18 =	vshll.u32 v18, $0x7  }
0x176: {  	s26 =	sand.u32 $0xFF, s25;
	v18 =	vor.u32 v9, v18  }
0x177: {  	s17 =	smul.u32 $0xCD, s26;
	_ =	sdelay $0x1  }
0x178: {  	s17 =	sshrl.u32 s17, $0xA  }
0x179: {  	s28 =	smul.u32 $0x5, s17  }
0x17a: {  	s29 =	sshll.u32 s17, $0x7;
	[tilespmem:v18+s13+$0x0] =	vst.idx.msk vm0, v0  }
0x17b: {  	s18 =	ssub.s32 s25, s28;
	v18 =	vld [tilespmem:s29+$0x0]  }
0x17c: {  	s18 =	sand.u32 $0xFF, s18  }
0x17d: {  	s30 =	smul.u32 $0xC8, s18;
	_ =	sdelay $0x1  }
0x17e: {  	v19 =	vmov s30;
	s31 =	sadd.s32 $0xC8, s30  }
0x17f: {  	vm12 =	vge.s32 v18, s30;
	vm13 =	vlt.s32 v18, s31;
	v18 =	vsub.s32 v18, v19  }
0x180: {  	vm0 =	vmand vm12, vm13;
	v18 =	vshll.u32 v18, $0x7  }
0x181: {  	v18 =	vor.u32 v1, v18;
	_ =	sdelay $0x4  }
0x182: {  	[tilespmem:v18+s13+$0x0] =	vst.idx.msk vm0, v2  }
0x183: {  	v18 =	vld [tilespmem:s29+$0x10];
	_ =	sdelay $0x4  }
0x184: {  	vm14 =	vge.s32 v18, s30;
	vm15 =	vlt.s32 v18, s31;
	v18 =	vsub.s32 v18, v19  }
0x185: {  	vm0 =	vmand vm14, vm15;
	v18 =	vshll.u32 v18, $0x7  }
0x186: {  	v18 =	vor.u32 v3, v18;
	_ =	sdelay $0x4  }
0x187: {  	[tilespmem:v18+s13+$0x0] =	vst.idx.msk vm0, v2  }
0x188: {  	v18 =	vld [tilespmem:s29+$0x20];
	_ =	sdelay $0x4  }
0x189: {  	vm4 =	vge.s32 v18, s30;
	vm5 =	vlt.s32 v18, s31;
	v18 =	vsub.s32 v18, v19  }
0x18a: {  	vm0 =	vmand vm4, vm5;
	v18 =	vshll.u32 v18, $0x7  }
0x18b: {  	v18 =	vor.u32 v4, v18;
	_ =	sdelay $0x4  }
0x18c: {  	[tilespmem:v18+s13+$0x0] =	vst.idx.msk vm0, v2  }
0x18d: {  	v18 =	vld [tilespmem:s29+$0x30];
	_ =	sdelay $0x4  }
0x18e: {  	vm6 =	vge.s32 v18, s30;
	vm7 =	vlt.s32 v18, s31;
	v18 =	vsub.s32 v18, v19  }
0x18f: {  	vm0 =	vmand vm6, vm7;
	v18 =	vshll.u32 v18, $0x7  }
0x190: {  	v18 =	vor.u32 v5, v18;
	_ =	sdelay $0x4  }
0x191: {  	[tilespmem:v18+s13+$0x0] =	vst.idx.msk vm0, v2  }
0x192: {  	v18 =	vld [tilespmem:s29+$0x40];
	_ =	sdelay $0x4  }
0x193: {  	vm8 =	vge.s32 v18, s30;
	vm9 =	vlt.s32 v18, s31;
	v18 =	vsub.s32 v18, v19  }
0x194: {  	vm0 =	vmand vm8, vm9;
	v18 =	vshll.u32 v18, $0x7  }
0x195: {  	v18 =	vor.u32 v6, v18;
	_ =	sdelay $0x4  }
0x196: {  	[tilespmem:v18+s13+$0x0] =	vst.idx.msk vm0, v2  }
0x197: {  	v18 =	vld [tilespmem:s29+$0x50];
	_ =	sdelay $0x4  }
0x198: {  	vm10 =	vge.s32 v18, s30;
	vm11 =	vlt.s32 v18, s31;
	v18 =	vsub.s32 v18, v19  }
0x199: {  	vm0 =	vmand vm10, vm11;
	v18 =	vshll.u32 v18, $0x7  }
0x19a: {  	v18 =	vor.u32 v7, v18;
	_ =	sdelay $0x4  }
0x19b: {  	[tilespmem:v18+s13+$0x0] =	vst.idx.msk vm0, v2  }
0x19c: {  	v18 =	vld [tilespmem:s29+$0x60];
	_ =	sdelay $0x4  }
0x19d: {  	vm12 =	vge.s32 v18, s30;
	vm13 =	vlt.s32 v18, s31;
	v18 =	vsub.s32 v18, v19  }
0x19e: {  	vm0 =	vmand vm12, vm13;
	v18 =	vshll.u32 v18, $0x7  }
0x19f: {  	v18 =	vor.u32 v8, v18;
	_ =	sdelay $0x4  }
0x1a0: {  	[tilespmem:v18+s13+$0x0] =	vst.idx.msk vm0, v2  }
0x1a1: {  	v18 =	vld [tilespmem:s29+$0x70];
	_ =	sdelay $0x4  }
0x1a2: {  	vm14 =	vge.s32 v18, s30;
	vm15 =	vlt.s32 v18, s31;
	v18 =	vsub.s32 v18, v19  }
0x1a3: {  	vm0 =	vmand vm14, vm15;
	v18 =	vshll.u32 v18, $0x7  }
0x1a4: {  	v18 =	vor.u32 v9, v18  }
0x1a5: {  	p0 =	sne.s32 s16, $0x9;
	s17 =	sadd.s32 s17, s7;
	s18 =	smul.u32 $0x320000, s18  }
.Ltmp2:
0x1a6: {  	s17 =	sshll.u32 s17, $0xA;
	(pc) =	sbr.rel @p0 .LBB2_6-.Ltmp2, $4  }
0x1a7: {  	s17 =	sadd.s32 s18, s17  }
0x1a8: {  	s17 =	sshrl.u32 s17, $0x3  }
0x1a9: {  	s16 =	sadd.s32 $0x1, s16;
	s17 =	sadd.s32 s2, s17;
	[tilespmem:v18+s13+$0x0] =	vst.idx.msk vm0, v2  }
0x1aa: {  	[hbm4b:s17+s11] =	stream.strided.scatter [tilespmem:s13], [sflag:$0x2], $0x6400, s12, s11, $0x38;
	[tilespmem:$0xCA00] =	vst v63  }
0x1ab: {  	s15 =	sadd.s32 $0x1, s15  }
0x1ac: {  	_ =	swait.ge [sflag:s9], $0x6400;
	p0 =	sne.s32 s15, s8  }
.Ltmp3:
0x1ad: {  	[sflag:s9] =	ssyncset.done $0x0;
	(pc) =	sbr.rel @p0 .LBB2_1-.Ltmp3, $4  }
0x1ae: {  	[sflag:s9] =	ssyncadd.s32 $0xFFFF9C00  }
0x1af: {  	_ =	swait.ge [sflag:s14], $0x6400  }
0x1b0: {  	[sflag:s14] =	ssyncset.done $0x0  }
0x1b1: {  	[sflag:s14] =	ssyncadd.s32 $0xFFFF9C00  }
0x1b2: {  	_ =	sfence.sel $0x180000  }
0x1b3: {  	[bflag:$0x0] =	sbarrier.arrive $0xFFFF  }
0x1b4: {  	p0 =	sne.s32 s1, $0x0;
	_ =	strace $0x90000047  }
0x1b5: {  	s0 =	sadd.s32 @!p0 $0x100000, s0;
	[bflag:$0x2] =	sbarrier.arrive $0xFFFF  }
0x1b6: {  	[sflag:s0] =	ssyncadd.tile.s32 @!p0 $0x1;
	_ =	shalt  }
.Lfunc_end2:
_tile_overlayer_lowered:
.L_overlay_start_2:
0x1b7: {  	(tag) =	ssettag $0x2  }
0x1b8: {  	s0 =	rddreg [dreg:$0x0];
	s2 =	stileid.u32  }
0x1b9: {  	s1 =	rddreg [dreg:$0x1];
	p0 =	sne.s32 s2, $0x0  }
0x1ba: {  	s3 =	rddreg [dreg:$0x2];
	[bflag:$0x3] =	sbarrier.arrive $0xFFFF;
	s2 =	simm.s32 @!p0 $0x1C03  }
0x1bb: {  	[timem:s3], [sflag:s2] =	dma.local @!p0 [hbm:s0], s1  }
0x1bc: {  	s0 =	simm.s32 @!p0 $0x3  }
0x1bd: {  	_ =	swait.ge @!p0 [sflag:s0], s1  }
0x1be: {  	s1 =	ssub.s32 @!p0 $0x0, s1;
	[sflag:s0] =	ssyncset.done @!p0 $0x0  }
0x1bf: {  	[sflag:s0] =	ssyncadd.s32 @!p0 s1  }
0x1c0: {  	[bflag:$0x3] =	sbarrier.arrive $0xFFFF  }
0x1c1: {  	_ =	shalt  }

</sc_bundles>
